<compile_context>
chip_gen: v7x
topology: tpu7x:2x2x1
jax: 0.10.2.dev20260603
libtpu: 0.0.44.dev20260713+nightly
codegen_flags: <defaults>
</compile_context>

<pallas_src>
import functools

import jax
import jax.numpy as jnp
from jax import lax
from jax.experimental import pallas as pl
from jax.experimental.pallas import tpu as pltpu
from jax.experimental.pallas import tpu_sc as plsc

BATCH = 16384
LATENT = 128
HALF = BATCH // 2


def _sc_gather_chunk(Eu, Ei, user, items, off, count):
    info = plsc.get_sparse_core_info()
    NC, NS = info.num_cores, info.num_subcores
    NW = NC * NS
    bpw = count // NW

    mesh = plsc.VectorSubcoreMesh(core_axis_name="c", subcore_axis_name="s")

    @functools.partial(
        pl.kernel,
        mesh=mesh,
        out_type=(
            jax.ShapeDtypeStruct((count, LATENT), jnp.float32),
            jax.ShapeDtypeStruct((count, LATENT), jnp.float32),
        ),
        scratch_types=[
            pltpu.VMEM((bpw,), jnp.int32),
            pltpu.VMEM((bpw,), jnp.int32),
            pltpu.VMEM((bpw, LATENT), jnp.float32),
            pltpu.VMEM((bpw, LATENT), jnp.float32),
            pltpu.SemaphoreType.DMA,
            pltpu.SemaphoreType.DMA,
            pltpu.SemaphoreType.DMA,
            pltpu.SemaphoreType.DMA,
        ],
    )
    def k(eu_hbm, ei_hbm, u_hbm, it_hbm, outu_hbm, outi_hbm,
          idxu_v, idxi_v, rows_u, rows_i, isem_u, isem_i, wsem_u, wsem_i):
        wid = lax.axis_index("s") * NC + lax.axis_index("c")
        base = wid * bpw
        liu = pltpu.async_copy(u_hbm.at[pl.ds(off + base, bpw)], idxu_v, isem_u)
        lii = pltpu.async_copy(it_hbm.at[pl.ds(off + base, bpw)], idxi_v, isem_i)
        liu.wait()
        gu = pltpu.async_copy(eu_hbm.at[idxu_v], rows_u, isem_u)
        lii.wait()
        gi = pltpu.async_copy(ei_hbm.at[idxi_v], rows_i, isem_i)
        gu.wait()
        wu = pltpu.async_copy(rows_u, outu_hbm.at[pl.ds(base, bpw)], wsem_u)
        gi.wait()
        wi = pltpu.async_copy(rows_i, outi_hbm.at[pl.ds(base, bpw)], wsem_i)
        wu.wait()
        wi.wait()

    return k(Eu, Ei, user, items)


def _mlp_body(ue_ref, ie_ref, w1u_ref, w1i_ref, b1_ref, w2_ref, b2_ref,
              w3_ref, b3_ref, w4_ref, b4_ref, out_ref):
    x = jnp.dot(ue_ref[...].astype(jnp.bfloat16), w1u_ref[...],
                preferred_element_type=jnp.float32)
    x = x + jnp.dot(ie_ref[...].astype(jnp.bfloat16), w1i_ref[...],
                    preferred_element_type=jnp.float32)
    x = jnp.maximum(x + b1_ref[...], 0.0)
    x = jnp.maximum(jnp.dot(x, w2_ref[...], preferred_element_type=jnp.float32) + b2_ref[...], 0.0)
    x = jnp.maximum(jnp.dot(x, w3_ref[...], preferred_element_type=jnp.float32) + b3_ref[...], 0.0)
    x = jnp.dot(x, w4_ref[...], preferred_element_type=jnp.float32) + b4_ref[...]
    out_ref[...] = (1.0 / (1.0 + jnp.exp2(x))).astype(jnp.bfloat16)


def _tc_mlp(ue, ie, w1u, w1i, b1r, w2t, b2r, w3t, b3r, w4t, b4r):
    batch = ue.shape[0]
    BLK = batch // 2
    grid = (batch // BLK,)

    def full2(shape):
        return pl.BlockSpec(shape, lambda i: (0, 0))

    return pl.pallas_call(
        _mlp_body,
        grid=grid,
        in_specs=[
            pl.BlockSpec((BLK, LATENT), lambda i: (i, 0)),
            pl.BlockSpec((BLK, LATENT), lambda i: (i, 0)),
            full2(w1u.shape), full2(w1i.shape), full2(b1r.shape),
            full2(w2t.shape), full2(b2r.shape),
            full2(w3t.shape), full2(b3r.shape),
            full2(w4t.shape), full2(b4r.shape),
        ],
        out_specs=pl.BlockSpec((BLK, 1), lambda i: (i, 0)),
        out_shape=jax.ShapeDtypeStruct((batch, 1), jnp.bfloat16),
    )(ue, ie, w1u, w1i, b1r, w2t, b2r, w3t, b3r, w4t, b4r)


def kernel(user, items, Eu, Ei, W1, b1, W2, b2, W3, b3, W4, b4):
    u32 = user.astype(jnp.int32)
    i32 = items.astype(jnp.int32)
    w1u = W1[:, :LATENT].T.astype(jnp.bfloat16)
    w1i = W1[:, LATENT:].T.astype(jnp.bfloat16)
    w2t = W2.T
    w3t = W3.T
    NEG_LOG2E = -1.4426950408889634
    w4t = W4.T * NEG_LOG2E
    b1r = b1.reshape(1, -1)
    b2r = b2.reshape(1, -1)
    b3r = b3.reshape(1, -1)
    b4r = b4.reshape(1, -1) * NEG_LOG2E
    SPLIT = 9216
    ue0, ie0 = _sc_gather_chunk(Eu, Ei, u32, i32, 0, SPLIT)
    ue1, ie1 = _sc_gather_chunk(Eu, Ei, u32, i32, SPLIT, BATCH - SPLIT)
    y0 = _tc_mlp(ue0, ie0, w1u, w1i, b1r, w2t, b2r, w3t, b3r, w4t, b4r)
    y1 = _tc_mlp(ue1, ie1, w1u, w1i, b1r, w2t, b2r, w3t, b3r, w4t, b4r)
    return jnp.concatenate([y0, y1], axis=0).astype(jnp.float32)

# --- scband reference (transcript-rebuilt; emitter-appended) ---
"""Pipeline reference for scband-ncf-mlp-47450798686808 (READ-ONLY COPY).

The authoritative reference and input builder live on the scoring server;
editing this copy changes nothing except your own understanding.
"""

import jax, jax.numpy as jnp
import numpy as np

NUM_USERS = 100000
NUM_ITEMS = 100000
LATENT = 128
BATCH = 16384

def setup_inputs(seed: int = 0) -> dict:
    key = jax.random.key(seed)
    ks = jax.random.split(key, 12)
    user = jax.random.randint(ks[0], (BATCH,), 0, NUM_USERS, dtype=jnp.int64) if jax.config.jax_enable_x64 else jax.random.randint(ks[0], (BATCH,), 0, NUM_USERS, dtype=jnp.int32)
    items = jax.random.randint(ks[1], (BATCH,), 0, NUM_ITEMS, dtype=user.dtype)
    Eu = jax.random.normal(ks[2], (NUM_USERS, LATENT), dtype=jnp.float32)
    Ei = jax.random.normal(ks[3], (NUM_ITEMS, LATENT), dtype=jnp.float32)
    def linear_params(k, fan_in, fan_out):
        k1, k2 = jax.random.split(k)
        bound = 1.0 / np.sqrt(fan_in)
        W = jax.random.uniform(k1, (fan_out, fan_in), minval=-bound, maxval=bound, dtype=jnp.float32)
        b = jax.random.uniform(k2, (fan_out,), minval=-bound, maxval=bound, dtype=jnp.float32)
        return W, b
    W1, b1 = linear_params(ks[4], 2 * LATENT, 32)
    W2, b2 = linear_params(ks[5], 32, 16)
    W3, b3 = linear_params(ks[6], 16, 8)
    W4, b4 = linear_params(ks[7], 8, 1)
    return {"user": user, "items": items, "Eu": Eu, "Ei": Ei,
            "W1": W1, "b1": b1, "W2": W2, "b2": b2,
            "W3": W3, "b3": b3, "W4": W4, "b4": b4}

def reference(user, items, Eu, Ei, W1, b1, W2, b2, W3, b3, W4, b4):
    user_embed = jnp.take(Eu, user, axis=0)
    item_embed = jnp.take(Ei, items, axis=0)
    user_item = jnp.concatenate([user_embed, item_embed], axis=1)
    x = user_item @ W1.T + b1
    x = jax.nn.relu(x)
    x = x @ W2.T + b2
    x = jax.nn.relu(x)
    x = x @ W3.T + b3
    x = jax.nn.relu(x)
    logits = x @ W4.T + b4
    return jax.nn.sigmoid(logits)

if __name__ == "__main__":
    import jax
    _d = setup_inputs()
    print(jax.jit(kernel)(*tuple(_d.values())))

</pallas_src>

<mosaic_0001>
#map = affine_map<(d0, d1) -> (0, 0)>
#map1 = affine_map<(d0, d1) -> (0)>
module attributes {stable_mosaic.version = 14 : i64} {
  func.func @k(%arg0: i32, %arg1: i32, %arg2: memref<100000x128xf32, #tpu.memory_space<hbm>>, %arg3: memref<100000x128xf32, #tpu.memory_space<hbm>>, %arg4: memref<16384xi32, #tpu.memory_space<hbm>>, %arg5: memref<16384xi32, #tpu.memory_space<hbm>>, %arg6: memref<7168x128xf32, #tpu.memory_space<hbm>>, %arg7: memref<7168x128xf32, #tpu.memory_space<hbm>>, %arg8: memref<224xi32, #tpu.memory_space<vmem>>, %arg9: memref<224xi32, #tpu.memory_space<vmem>>, %arg10: memref<224x128xf32, #tpu.memory_space<vmem>>, %arg11: memref<224x128xf32, #tpu.memory_space<vmem>>, %arg12: memref<!tpu.dma_semaphore, #tpu.memory_space<semaphore_mem>>, %arg13: memref<!tpu.dma_semaphore, #tpu.memory_space<semaphore_mem>>, %arg14: memref<!tpu.dma_semaphore, #tpu.memory_space<semaphore_mem>>, %arg15: memref<!tpu.dma_semaphore, #tpu.memory_space<semaphore_mem>>) attributes {dimension_semantics = [#tpu.dimension_semantics<core_parallel>, #tpu.dimension_semantics<subcore_parallel>], iteration_bounds = array<i64: 2, 16>, scalar_prefetch = 0 : i64, scratch_operands = 8 : i64, tpu.core_type = #tpu.core_type<sc_vector_subcore>, window_params = [{transform_indices = #map}, {transform_indices = #map}, {transform_indices = #map1}, {transform_indices = #map1}, {transform_indices = #map}, {transform_indices = #map}]} {
    %mul3A = arith.constant 2 : i32
    %mul3A_0 = arith.muli %arg1, %mul3A : i32
    %add3A = arith.addi %mul3A_0, %arg0 : i32
    %mul3A_1 = arith.constant 224 : i32
    %mul3A_2 = arith.muli %add3A, %mul3A_1 : i32
    %add3A_3 = arith.constant 9216 : i32
    %add3A_4 = arith.addi %add3A_3, %mul3A_2 : i32
    %dma_start3A = tpu.memref_slice %arg4[%add3A_4] : memref<16384xi32, #tpu.memory_space<hbm>> -> memref<224xi32, #tpu.memory_space<hbm>>
    %dma_start3A_5 = tpu.memref_slice %arg4[%add3A_4] : memref<16384xi32, #tpu.memory_space<hbm>> -> memref<224xi32, #tpu.memory_space<hbm>>
    tpu.enqueue_dma source(%dma_start3A_5 : memref<224xi32, #tpu.memory_space<hbm>>) target(%arg8 : memref<224xi32, #tpu.memory_space<vmem>>) target_semaphore(%arg12 : memref<!tpu.dma_semaphore, #tpu.memory_space<semaphore_mem>>)
    %add3A_6 = arith.constant 9216 : i32
    %add3A_7 = arith.addi %add3A_6, %mul3A_2 : i32
    %dma_start3A_8 = tpu.memref_slice %arg5[%add3A_7] : memref<16384xi32, #tpu.memory_space<hbm>> -> memref<224xi32, #tpu.memory_space<hbm>>
    %dma_start3A_9 = tpu.memref_slice %arg5[%add3A_7] : memref<16384xi32, #tpu.memory_space<hbm>> -> memref<224xi32, #tpu.memory_space<hbm>>
    tpu.enqueue_dma source(%dma_start3A_9 : memref<224xi32, #tpu.memory_space<hbm>>) target(%arg9 : memref<224xi32, #tpu.memory_space<vmem>>) target_semaphore(%arg13 : memref<!tpu.dma_semaphore, #tpu.memory_space<semaphore_mem>>)
    %dma_wait3A = tpu.memref_slice %arg4[%add3A_4] : memref<16384xi32, #tpu.memory_space<hbm>> -> memref<224xi32, #tpu.memory_space<hbm>>
    %dma_wait3A_10 = tpu.memref_slice %arg4[%add3A_4] : memref<16384xi32, #tpu.memory_space<hbm>> -> memref<224xi32, #tpu.memory_space<hbm>>
    tpu.wait_dma2 semaphore(%arg12 : memref<!tpu.dma_semaphore, #tpu.memory_space<semaphore_mem>>) src(%dma_wait3A_10 : memref<224xi32, #tpu.memory_space<hbm>>) dst(%arg8 : memref<224xi32, #tpu.memory_space<vmem>>)
    %dma_start3A_11 = arith.constant 0 : i32
    %dma_start3A_12 = arith.constant 0 : i32
    %dma_start3A_13 = tpu.memref_slice %arg2[%dma_start3A_11, %dma_start3A_12] : memref<100000x128xf32, #tpu.memory_space<hbm>> -> memref<100000x128xf32, #tpu.memory_space<hbm>>
    tpu.enqueue_indirect_dma source(%dma_start3A_13 : memref<100000x128xf32, #tpu.memory_space<hbm>>) target(%arg10 : memref<224x128xf32, #tpu.memory_space<vmem>>) offsets(%arg8 : memref<224xi32, #tpu.memory_space<vmem>>) semaphore(%arg12 : memref<!tpu.dma_semaphore, #tpu.memory_space<semaphore_mem>>)
    %dma_wait3A_14 = tpu.memref_slice %arg5[%add3A_7] : memref<16384xi32, #tpu.memory_space<hbm>> -> memref<224xi32, #tpu.memory_space<hbm>>
    %dma_wait3A_15 = tpu.memref_slice %arg5[%add3A_7] : memref<16384xi32, #tpu.memory_space<hbm>> -> memref<224xi32, #tpu.memory_space<hbm>>
    tpu.wait_dma2 semaphore(%arg13 : memref<!tpu.dma_semaphore, #tpu.memory_space<semaphore_mem>>) src(%dma_wait3A_15 : memref<224xi32, #tpu.memory_space<hbm>>) dst(%arg9 : memref<224xi32, #tpu.memory_space<vmem>>)
    %dma_start3A_16 = arith.constant 0 : i32
    %dma_start3A_17 = arith.constant 0 : i32
    %dma_start3A_18 = tpu.memref_slice %arg3[%dma_start3A_16, %dma_start3A_17] : memref<100000x128xf32, #tpu.memory_space<hbm>> -> memref<100000x128xf32, #tpu.memory_space<hbm>>
    tpu.enqueue_indirect_dma source(%dma_start3A_18 : memref<100000x128xf32, #tpu.memory_space<hbm>>) target(%arg11 : memref<224x128xf32, #tpu.memory_space<vmem>>) offsets(%arg9 : memref<224xi32, #tpu.memory_space<vmem>>) semaphore(%arg13 : memref<!tpu.dma_semaphore, #tpu.memory_space<semaphore_mem>>)
    %dma_wait3A_19 = arith.constant 0 : i32
    %dma_wait3A_20 = arith.constant 0 : i32
    %dma_wait3A_21 = tpu.memref_slice %arg2[%dma_wait3A_19, %dma_wait3A_20] : memref<100000x128xf32, #tpu.memory_space<hbm>> -> memref<100000x128xf32, #tpu.memory_space<hbm>>
    tpu.wait_indirect_dma semaphore(%arg12 : memref<!tpu.dma_semaphore, #tpu.memory_space<semaphore_mem>>) src(%dma_wait3A_21 : memref<100000x128xf32, #tpu.memory_space<hbm>>) dst(%arg10 : memref<224x128xf32, #tpu.memory_space<vmem>>)
    %dma_start3A_22 = arith.constant 0 : i32
    %dma_start3A_23 = tpu.memref_slice %arg6[%mul3A_2, %dma_start3A_22] : memref<7168x128xf32, #tpu.memory_space<hbm>> -> memref<224x128xf32, #tpu.memory_space<hbm>>
    %dma_start3A_24 = arith.constant 0 : i32
    %dma_start3A_25 = tpu.memref_slice %arg6[%mul3A_2, %dma_start3A_24] : memref<7168x128xf32, #tpu.memory_space<hbm>> -> memref<224x128xf32, #tpu.memory_space<hbm>>
    tpu.enqueue_dma source(%arg10 : memref<224x128xf32, #tpu.memory_space<vmem>>) target(%dma_start3A_25 : memref<224x128xf32, #tpu.memory_space<hbm>>) target_semaphore(%arg14 : memref<!tpu.dma_semaphore, #tpu.memory_space<semaphore_mem>>)
    %dma_wait3A_26 = arith.constant 0 : i32
    %dma_wait3A_27 = arith.constant 0 : i32
    %dma_wait3A_28 = tpu.memref_slice %arg3[%dma_wait3A_26, %dma_wait3A_27] : memref<100000x128xf32, #tpu.memory_space<hbm>> -> memref<100000x128xf32, #tpu.memory_space<hbm>>
    tpu.wait_indirect_dma semaphore(%arg13 : memref<!tpu.dma_semaphore, #tpu.memory_space<semaphore_mem>>) src(%dma_wait3A_28 : memref<100000x128xf32, #tpu.memory_space<hbm>>) dst(%arg11 : memref<224x128xf32, #tpu.memory_space<vmem>>)
    %dma_start3A_29 = arith.constant 0 : i32
    %dma_start3A_30 = tpu.memref_slice %arg7[%mul3A_2, %dma_start3A_29] : memref<7168x128xf32, #tpu.memory_space<hbm>> -> memref<224x128xf32, #tpu.memory_space<hbm>>
    %dma_start3A_31 = arith.constant 0 : i32
    %dma_start3A_32 = tpu.memref_slice %arg7[%mul3A_2, %dma_start3A_31] : memref<7168x128xf32, #tpu.memory_space<hbm>> -> memref<224x128xf32, #tpu.memory_space<hbm>>
    tpu.enqueue_dma source(%arg11 : memref<224x128xf32, #tpu.memory_space<vmem>>) target(%dma_start3A_32 : memref<224x128xf32, #tpu.memory_space<hbm>>) target_semaphore(%arg15 : memref<!tpu.dma_semaphore, #tpu.memory_space<semaphore_mem>>)
    %dma_wait3A_33 = arith.constant 0 : i32
    %dma_wait3A_34 = tpu.memref_slice %arg6[%mul3A_2, %dma_wait3A_33] : memref<7168x128xf32, #tpu.memory_space<hbm>> -> memref<224x128xf32, #tpu.memory_space<hbm>>
    %dma_wait3A_35 = arith.constant 0 : i32
    %dma_wait3A_36 = tpu.memref_slice %arg6[%mul3A_2, %dma_wait3A_35] : memref<7168x128xf32, #tpu.memory_space<hbm>> -> memref<224x128xf32, #tpu.memory_space<hbm>>
    tpu.wait_dma2 semaphore(%arg14 : memref<!tpu.dma_semaphore, #tpu.memory_space<semaphore_mem>>) src(%arg10 : memref<224x128xf32, #tpu.memory_space<vmem>>) dst(%dma_wait3A_36 : memref<224x128xf32, #tpu.memory_space<hbm>>)
    %dma_wait3A_37 = arith.constant 0 : i32
    %dma_wait3A_38 = tpu.memref_slice %arg7[%mul3A_2, %dma_wait3A_37] : memref<7168x128xf32, #tpu.memory_space<hbm>> -> memref<224x128xf32, #tpu.memory_space<hbm>>
    %dma_wait3A_39 = arith.constant 0 : i32
    %dma_wait3A_40 = tpu.memref_slice %arg7[%mul3A_2, %dma_wait3A_39] : memref<7168x128xf32, #tpu.memory_space<hbm>> -> memref<224x128xf32, #tpu.memory_space<hbm>>
    tpu.wait_dma2 semaphore(%arg15 : memref<!tpu.dma_semaphore, #tpu.memory_space<semaphore_mem>>) src(%arg11 : memref<224x128xf32, #tpu.memory_space<vmem>>) dst(%dma_wait3A_40 : memref<224x128xf32, #tpu.memory_space<hbm>>)
    return
  }
}

#map = affine_map<(d0, d1) -> (0, 0)>
#map1 = affine_map<(d0, d1) -> (0)>
module attributes {stable_mosaic.version = 14 : i64} {
  func.func @k(%arg0: i32, %arg1: i32, %arg2: memref<100000x128xf32, #tpu.memory_space<hbm>>, %arg3: memref<100000x128xf32, #tpu.memory_space<hbm>>, %arg4: memref<16384xi32, #tpu.memory_space<hbm>>, %arg5: memref<16384xi32, #tpu.memory_space<hbm>>, %arg6: memref<9216x128xf32, #tpu.memory_space<hbm>>, %arg7: memref<9216x128xf32, #tpu.memory_space<hbm>>, %arg8: memref<288xi32, #tpu.memory_space<vmem>>, %arg9: memref<288xi32, #tpu.memory_space<vmem>>, %arg10: memref<288x128xf32, #tpu.memory_space<vmem>>, %arg11: memref<288x128xf32, #tpu.memory_space<vmem>>, %arg12: memref<!tpu.dma_semaphore, #tpu.memory_space<semaphore_mem>>, %arg13: memref<!tpu.dma_semaphore, #tpu.memory_space<semaphore_mem>>, %arg14: memref<!tpu.dma_semaphore, #tpu.memory_space<semaphore_mem>>, %arg15: memref<!tpu.dma_semaphore, #tpu.memory_space<semaphore_mem>>) attributes {dimension_semantics = [#tpu.dimension_semantics<core_parallel>, #tpu.dimension_semantics<subcore_parallel>], iteration_bounds = array<i64: 2, 16>, scalar_prefetch = 0 : i64, scratch_operands = 8 : i64, tpu.core_type = #tpu.core_type<sc_vector_subcore>, window_params = [{transform_indices = #map}, {transform_indices = #map}, {transform_indices = #map1}, {transform_indices = #map1}, {transform_indices = #map}, {transform_indices = #map}]} {
    %mul3A = arith.constant 2 : i32
    %mul3A_0 = arith.muli %arg1, %mul3A : i32
    %add3A = arith.addi %mul3A_0, %arg0 : i32
    %mul3A_1 = arith.constant 288 : i32
    %mul3A_2 = arith.muli %add3A, %mul3A_1 : i32
    %add3A_3 = arith.constant 0 : i32
    %add3A_4 = arith.addi %add3A_3, %mul3A_2 : i32
    %dma_start3A = tpu.memref_slice %arg4[%add3A_4] : memref<16384xi32, #tpu.memory_space<hbm>> -> memref<288xi32, #tpu.memory_space<hbm>>
    %dma_start3A_5 = tpu.memref_slice %arg4[%add3A_4] : memref<16384xi32, #tpu.memory_space<hbm>> -> memref<288xi32, #tpu.memory_space<hbm>>
    tpu.enqueue_dma source(%dma_start3A_5 : memref<288xi32, #tpu.memory_space<hbm>>) target(%arg8 : memref<288xi32, #tpu.memory_space<vmem>>) target_semaphore(%arg12 : memref<!tpu.dma_semaphore, #tpu.memory_space<semaphore_mem>>)
    %add3A_6 = arith.constant 0 : i32
    %add3A_7 = arith.addi %add3A_6, %mul3A_2 : i32
    %dma_start3A_8 = tpu.memref_slice %arg5[%add3A_7] : memref<16384xi32, #tpu.memory_space<hbm>> -> memref<288xi32, #tpu.memory_space<hbm>>
    %dma_start3A_9 = tpu.memref_slice %arg5[%add3A_7] : memref<16384xi32, #tpu.memory_space<hbm>> -> memref<288xi32, #tpu.memory_space<hbm>>
    tpu.enqueue_dma source(%dma_start3A_9 : memref<288xi32, #tpu.memory_space<hbm>>) target(%arg9 : memref<288xi32, #tpu.memory_space<vmem>>) target_semaphore(%arg13 : memref<!tpu.dma_semaphore, #tpu.memory_space<semaphore_mem>>)
    %dma_wait3A = tpu.memref_slice %arg4[%add3A_4] : memref<16384xi32, #tpu.memory_space<hbm>> -> memref<288xi32, #tpu.memory_space<hbm>>
    %dma_wait3A_10 = tpu.memref_slice %arg4[%add3A_4] : memref<16384xi32, #tpu.memory_space<hbm>> -> memref<288xi32, #tpu.memory_space<hbm>>
    tpu.wait_dma2 semaphore(%arg12 : memref<!tpu.dma_semaphore, #tpu.memory_space<semaphore_mem>>) src(%dma_wait3A_10 : memref<288xi32, #tpu.memory_space<hbm>>) dst(%arg8 : memref<288xi32, #tpu.memory_space<vmem>>)
    %dma_start3A_11 = arith.constant 0 : i32
    %dma_start3A_12 = arith.constant 0 : i32
    %dma_start3A_13 = tpu.memref_slice %arg2[%dma_start3A_11, %dma_start3A_12] : memref<100000x128xf32, #tpu.memory_space<hbm>> -> memref<100000x128xf32, #tpu.memory_space<hbm>>
    tpu.enqueue_indirect_dma source(%dma_start3A_13 : memref<100000x128xf32, #tpu.memory_space<hbm>>) target(%arg10 : memref<288x128xf32, #tpu.memory_space<vmem>>) offsets(%arg8 : memref<288xi32, #tpu.memory_space<vmem>>) semaphore(%arg12 : memref<!tpu.dma_semaphore, #tpu.memory_space<semaphore_mem>>)
    %dma_wait3A_14 = tpu.memref_slice %arg5[%add3A_7] : memref<16384xi32, #tpu.memory_space<hbm>> -> memref<288xi32, #tpu.memory_space<hbm>>
    %dma_wait3A_15 = tpu.memref_slice %arg5[%add3A_7] : memref<16384xi32, #tpu.memory_space<hbm>> -> memref<288xi32, #tpu.memory_space<hbm>>
    tpu.wait_dma2 semaphore(%arg13 : memref<!tpu.dma_semaphore, #tpu.memory_space<semaphore_mem>>) src(%dma_wait3A_15 : memref<288xi32, #tpu.memory_space<hbm>>) dst(%arg9 : memref<288xi32, #tpu.memory_space<vmem>>)
    %dma_start3A_16 = arith.constant 0 : i32
    %dma_start3A_17 = arith.constant 0 : i32
    %dma_start3A_18 = tpu.memref_slice %arg3[%dma_start3A_16, %dma_start3A_17] : memref<100000x128xf32, #tpu.memory_space<hbm>> -> memref<100000x128xf32, #tpu.memory_space<hbm>>
    tpu.enqueue_indirect_dma source(%dma_start3A_18 : memref<100000x128xf32, #tpu.memory_space<hbm>>) target(%arg11 : memref<288x128xf32, #tpu.memory_space<vmem>>) offsets(%arg9 : memref<288xi32, #tpu.memory_space<vmem>>) semaphore(%arg13 : memref<!tpu.dma_semaphore, #tpu.memory_space<semaphore_mem>>)
    %dma_wait3A_19 = arith.constant 0 : i32
    %dma_wait3A_20 = arith.constant 0 : i32
    %dma_wait3A_21 = tpu.memref_slice %arg2[%dma_wait3A_19, %dma_wait3A_20] : memref<100000x128xf32, #tpu.memory_space<hbm>> -> memref<100000x128xf32, #tpu.memory_space<hbm>>
    tpu.wait_indirect_dma semaphore(%arg12 : memref<!tpu.dma_semaphore, #tpu.memory_space<semaphore_mem>>) src(%dma_wait3A_21 : memref<100000x128xf32, #tpu.memory_space<hbm>>) dst(%arg10 : memref<288x128xf32, #tpu.memory_space<vmem>>)
    %dma_start3A_22 = arith.constant 0 : i32
    %dma_start3A_23 = tpu.memref_slice %arg6[%mul3A_2, %dma_start3A_22] : memref<9216x128xf32, #tpu.memory_space<hbm>> -> memref<288x128xf32, #tpu.memory_space<hbm>>
    %dma_start3A_24 = arith.constant 0 : i32
    %dma_start3A_25 = tpu.memref_slice %arg6[%mul3A_2, %dma_start3A_24] : memref<9216x128xf32, #tpu.memory_space<hbm>> -> memref<288x128xf32, #tpu.memory_space<hbm>>
    tpu.enqueue_dma source(%arg10 : memref<288x128xf32, #tpu.memory_space<vmem>>) target(%dma_start3A_25 : memref<288x128xf32, #tpu.memory_space<hbm>>) target_semaphore(%arg14 : memref<!tpu.dma_semaphore, #tpu.memory_space<semaphore_mem>>)
    %dma_wait3A_26 = arith.constant 0 : i32
    %dma_wait3A_27 = arith.constant 0 : i32
    %dma_wait3A_28 = tpu.memref_slice %arg3[%dma_wait3A_26, %dma_wait3A_27] : memref<100000x128xf32, #tpu.memory_space<hbm>> -> memref<100000x128xf32, #tpu.memory_space<hbm>>
    tpu.wait_indirect_dma semaphore(%arg13 : memref<!tpu.dma_semaphore, #tpu.memory_space<semaphore_mem>>) src(%dma_wait3A_28 : memref<100000x128xf32, #tpu.memory_space<hbm>>) dst(%arg11 : memref<288x128xf32, #tpu.memory_space<vmem>>)
    %dma_start3A_29 = arith.constant 0 : i32
    %dma_start3A_30 = tpu.memref_slice %arg7[%mul3A_2, %dma_start3A_29] : memref<9216x128xf32, #tpu.memory_space<hbm>> -> memref<288x128xf32, #tpu.memory_space<hbm>>
    %dma_start3A_31 = arith.constant 0 : i32
    %dma_start3A_32 = tpu.memref_slice %arg7[%mul3A_2, %dma_start3A_31] : memref<9216x128xf32, #tpu.memory_space<hbm>> -> memref<288x128xf32, #tpu.memory_space<hbm>>
    tpu.enqueue_dma source(%arg11 : memref<288x128xf32, #tpu.memory_space<vmem>>) target(%dma_start3A_32 : memref<288x128xf32, #tpu.memory_space<hbm>>) target_semaphore(%arg15 : memref<!tpu.dma_semaphore, #tpu.memory_space<semaphore_mem>>)
    %dma_wait3A_33 = arith.constant 0 : i32
    %dma_wait3A_34 = tpu.memref_slice %arg6[%mul3A_2, %dma_wait3A_33] : memref<9216x128xf32, #tpu.memory_space<hbm>> -> memref<288x128xf32, #tpu.memory_space<hbm>>
    %dma_wait3A_35 = arith.constant 0 : i32
    %dma_wait3A_36 = tpu.memref_slice %arg6[%mul3A_2, %dma_wait3A_35] : memref<9216x128xf32, #tpu.memory_space<hbm>> -> memref<288x128xf32, #tpu.memory_space<hbm>>
    tpu.wait_dma2 semaphore(%arg14 : memref<!tpu.dma_semaphore, #tpu.memory_space<semaphore_mem>>) src(%arg10 : memref<288x128xf32, #tpu.memory_space<vmem>>) dst(%dma_wait3A_36 : memref<288x128xf32, #tpu.memory_space<hbm>>)
    %dma_wait3A_37 = arith.constant 0 : i32
    %dma_wait3A_38 = tpu.memref_slice %arg7[%mul3A_2, %dma_wait3A_37] : memref<9216x128xf32, #tpu.memory_space<hbm>> -> memref<288x128xf32, #tpu.memory_space<hbm>>
    %dma_wait3A_39 = arith.constant 0 : i32
    %dma_wait3A_40 = tpu.memref_slice %arg7[%mul3A_2, %dma_wait3A_39] : memref<9216x128xf32, #tpu.memory_space<hbm>> -> memref<288x128xf32, #tpu.memory_space<hbm>>
    tpu.wait_dma2 semaphore(%arg15 : memref<!tpu.dma_semaphore, #tpu.memory_space<semaphore_mem>>) src(%arg11 : memref<288x128xf32, #tpu.memory_space<vmem>>) dst(%dma_wait3A_40 : memref<288x128xf32, #tpu.memory_space<hbm>>)
    return
  }
}

module attributes {stable_mosaic.version = 14 : i64} {
  func.func @_mlp_body(%arg0: i32, %arg1: memref<4608x128xf32, #tpu.memory_space<vmem>>, %arg2: memref<4608x128xf32, #tpu.memory_space<vmem>>, %arg3: memref<128x32xbf16, #tpu.memory_space<vmem>>, %arg4: memref<128x32xbf16, #tpu.memory_space<vmem>>, %arg5: memref<1x32xf32, #tpu.memory_space<vmem>>, %arg6: memref<32x16xf32, #tpu.memory_space<vmem>>, %arg7: memref<1x16xf32, #tpu.memory_space<vmem>>, %arg8: memref<16x8xf32, #tpu.memory_space<vmem>>, %arg9: memref<1x8xf32, #tpu.memory_space<vmem>>, %arg10: memref<8x1xf32, #tpu.memory_space<vmem>>, %arg11: memref<1x1xf32, #tpu.memory_space<vmem>>, %arg12: memref<4608x1xbf16, #tpu.memory_space<vmem>>) attributes {dimension_semantics = [#tpu.dimension_semantics<arbitrary>], iteration_bounds = array<i64: 2>, scalar_prefetch = 0 : i64, scratch_operands = 0 : i64, tpu.core_type = #tpu.core_type<tc>, window_params = [{transform_indices = @transform_0, window_bounds = array<i64: 4608, 128>}, {transform_indices = @transform_1, window_bounds = array<i64: 4608, 128>}, {pipeline_mode = #tpu.pipeline_mode<synchronous>, transform_indices = @transform_2, window_bounds = array<i64: 128, 32>}, {pipeline_mode = #tpu.pipeline_mode<synchronous>, transform_indices = @transform_3, window_bounds = array<i64: 128, 32>}, {pipeline_mode = #tpu.pipeline_mode<synchronous>, transform_indices = @transform_4, window_bounds = array<i64: 1, 32>}, {pipeline_mode = #tpu.pipeline_mode<synchronous>, transform_indices = @transform_5, window_bounds = array<i64: 32, 16>}, {pipeline_mode = #tpu.pipeline_mode<synchronous>, transform_indices = @transform_6, window_bounds = array<i64: 1, 16>}, {pipeline_mode = #tpu.pipeline_mode<synchronous>, transform_indices = @transform_7, window_bounds = array<i64: 16, 8>}, {pipeline_mode = #tpu.pipeline_mode<synchronous>, transform_indices = @transform_8, window_bounds = array<i64: 1, 8>}, {pipeline_mode = #tpu.pipeline_mode<synchronous>, transform_indices = @transform_9, window_bounds = array<i64: 8, 1>}, {pipeline_mode = #tpu.pipeline_mode<synchronous>, transform_indices = @transform_10, window_bounds = array<i64: 1, 1>}, {transform_indices = @transform_11, window_bounds = array<i64: 4608, 1>}]} {
    %get3A = arith.constant 0 : index
    %get3A_0 = arith.constant 0 : index
    %get3A_1 = vector.load %arg1[%get3A, %get3A_0] : memref<4608x128xf32, #tpu.memory_space<vmem>>, vector<4608x128xf32>
    %convert_element_type3A = arith.truncf %get3A_1 : vector<4608x128xf32> to vector<4608x128xbf16>
    %get3A_2 = arith.constant 0 : index
    %get3A_3 = arith.constant 0 : index
    %get3A_4 = vector.load %arg3[%get3A_2, %get3A_3] : memref<128x32xbf16, #tpu.memory_space<vmem>>, vector<128x32xbf16>
    %dot_general3A = arith.constant dense<0.000000e+00> : vector<4608x32xf32>
    %dot_general3A_5 = tpu.matmul %convert_element_type3A, %get3A_4, %dot_general3A {dimension_numbers = #tpu.dot_dimension_numbers<[1], [0], [0], [1], [0, 0, 1, 1], [], []>, transpose_lhs_hint = false} : vector<4608x128xbf16>, vector<128x32xbf16>, vector<4608x32xf32> -> vector<4608x32xf32>
    %get3A_6 = arith.constant 0 : index
    %get3A_7 = arith.constant 0 : index
    %get3A_8 = vector.load %arg2[%get3A_6, %get3A_7] : memref<4608x128xf32, #tpu.memory_space<vmem>>, vector<4608x128xf32>
    %convert_element_type3A_9 = arith.truncf %get3A_8 : vector<4608x128xf32> to vector<4608x128xbf16>
    %get3A_10 = arith.constant 0 : index
    %get3A_11 = arith.constant 0 : index
    %get3A_12 = vector.load %arg4[%get3A_10, %get3A_11] : memref<128x32xbf16, #tpu.memory_space<vmem>>, vector<128x32xbf16>
    %dot_general3A_13 = arith.constant dense<0.000000e+00> : vector<4608x32xf32>
    %dot_general3A_14 = tpu.matmul %convert_element_type3A_9, %get3A_12, %dot_general3A_13 {dimension_numbers = #tpu.dot_dimension_numbers<[1], [0], [0], [1], [0, 0, 1, 1], [], []>, transpose_lhs_hint = false} : vector<4608x128xbf16>, vector<128x32xbf16>, vector<4608x32xf32> -> vector<4608x32xf32>
    %add3A = arith.addf %dot_general3A_5, %dot_general3A_14 : vector<4608x32xf32>
    %get3A_15 = arith.constant 0 : index
    %get3A_16 = arith.constant 0 : index
    %get3A_17 = vector.load %arg5[%get3A_15, %get3A_16] : memref<1x32xf32, #tpu.memory_space<vmem>>, vector<1x32xf32>
    %add3A_18 = vector.broadcast %get3A_17 : vector<1x32xf32> to vector<4608x32xf32>
    %add3A_19 = arith.addf %add3A, %add3A_18 : vector<4608x32xf32>
    %max3A = arith.constant 0.000000e+00 : f32
    %max3A_20 = vector.broadcast %max3A : f32 to vector<4608x32xf32>
    %max3A_21 = arith.maximumf %add3A_19, %max3A_20 : vector<4608x32xf32>
    %get3A_22 = arith.constant 0 : index
    %get3A_23 = arith.constant 0 : index
    %get3A_24 = vector.load %arg6[%get3A_22, %get3A_23] : memref<32x16xf32, #tpu.memory_space<vmem>>, vector<32x16xf32>
    %dot_general3A_25 = arith.constant dense<0.000000e+00> : vector<4608x16xf32>
    %dot_general3A_26 = tpu.matmul %max3A_21, %get3A_24, %dot_general3A_25 {dimension_numbers = #tpu.dot_dimension_numbers<[1], [0], [0], [1], [0, 0, 1, 1], [], []>, transpose_lhs_hint = false} : vector<4608x32xf32>, vector<32x16xf32>, vector<4608x16xf32> -> vector<4608x16xf32>
    %get3A_27 = arith.constant 0 : index
    %get3A_28 = arith.constant 0 : index
    %get3A_29 = vector.load %arg7[%get3A_27, %get3A_28] : memref<1x16xf32, #tpu.memory_space<vmem>>, vector<1x16xf32>
    %add3A_30 = vector.broadcast %get3A_29 : vector<1x16xf32> to vector<4608x16xf32>
    %add3A_31 = arith.addf %dot_general3A_26, %add3A_30 : vector<4608x16xf32>
    %max3A_32 = arith.constant 0.000000e+00 : f32
    %max3A_33 = vector.broadcast %max3A_32 : f32 to vector<4608x16xf32>
    %max3A_34 = arith.maximumf %add3A_31, %max3A_33 : vector<4608x16xf32>
    %get3A_35 = arith.constant 0 : index
    %get3A_36 = arith.constant 0 : index
    %get3A_37 = vector.load %arg8[%get3A_35, %get3A_36] : memref<16x8xf32, #tpu.memory_space<vmem>>, vector<16x8xf32>
    %dot_general3A_38 = arith.constant dense<0.000000e+00> : vector<4608x8xf32>
    %dot_general3A_39 = tpu.matmul %max3A_34, %get3A_37, %dot_general3A_38 {dimension_numbers = #tpu.dot_dimension_numbers<[1], [0], [0], [1], [0, 0, 1, 1], [], []>, transpose_lhs_hint = false} : vector<4608x16xf32>, vector<16x8xf32>, vector<4608x8xf32> -> vector<4608x8xf32>
    %get3A_40 = arith.constant 0 : index
    %get3A_41 = arith.constant 0 : index
    %get3A_42 = vector.load %arg9[%get3A_40, %get3A_41] : memref<1x8xf32, #tpu.memory_space<vmem>>, vector<1x8xf32>
    %add3A_43 = vector.broadcast %get3A_42 : vector<1x8xf32> to vector<4608x8xf32>
    %add3A_44 = arith.addf %dot_general3A_39, %add3A_43 : vector<4608x8xf32>
    %max3A_45 = arith.constant 0.000000e+00 : f32
    %max3A_46 = vector.broadcast %max3A_45 : f32 to vector<4608x8xf32>
    %max3A_47 = arith.maximumf %add3A_44, %max3A_46 : vector<4608x8xf32>
    %get3A_48 = arith.constant 0 : index
    %get3A_49 = arith.constant 0 : index
    %get3A_50 = vector.load %arg10[%get3A_48, %get3A_49] : memref<8x1xf32, #tpu.memory_space<vmem>>, vector<8x1xf32>
    %dot_general3A_51 = arith.constant dense<0.000000e+00> : vector<4608x1xf32>
    %dot_general3A_52 = tpu.matmul %max3A_47, %get3A_50, %dot_general3A_51 {dimension_numbers = #tpu.dot_dimension_numbers<[1], [0], [0], [1], [0, 0, 1, 1], [], []>, transpose_lhs_hint = false} : vector<4608x8xf32>, vector<8x1xf32>, vector<4608x1xf32> -> vector<4608x1xf32>
    %get3A_53 = arith.constant 0 : index
    %get3A_54 = arith.constant 0 : index
    %get3A_55 = vector.load %arg11[%get3A_53, %get3A_54] : memref<1x1xf32, #tpu.memory_space<vmem>>, vector<1x1xf32>
    %add3A_56 = vector.broadcast %get3A_55 : vector<1x1xf32> to vector<4608x1xf32>
    %add3A_57 = arith.addf %dot_general3A_52, %add3A_56 : vector<4608x1xf32>
    %exp23A = math.exp2 %add3A_57 : vector<4608x1xf32>
    %add3A_58 = arith.constant 1.000000e+00 : f32
    %add3A_59 = vector.broadcast %add3A_58 : f32 to vector<4608x1xf32>
    %add3A_60 = arith.addf %add3A_59, %exp23A : vector<4608x1xf32>
    %div3A = arith.constant 1.000000e+00 : f32
    %div3A_61 = vector.broadcast %div3A : f32 to vector<4608x1xf32>
    %div3A_62 = arith.divf %div3A_61, %add3A_60 : vector<4608x1xf32>
    %convert_element_type3A_63 = arith.truncf %div3A_62 : vector<4608x1xf32> to vector<4608x1xbf16>
    %swap3A = arith.constant 0 : index
    %swap3A_64 = arith.constant 0 : index
    %swap3A_65 = vector.load %arg12[%swap3A, %swap3A_64] : memref<4608x1xbf16, #tpu.memory_space<vmem>>, vector<4608x1xbf16>
    tpu.vector_store %arg12[%swap3A, %swap3A_64], %convert_element_type3A_63 {strides = array<i32>} : memref<4608x1xbf16, #tpu.memory_space<vmem>>, vector<4608x1xbf16>,
    return
  }
  func.func @transform_0(%arg0: i32) -> (i32, i32) {
    %c0_i32 = arith.constant 0 : i32
    %c0_i32_0 = arith.constant 0 : i32
    return %arg0, %c0_i32 : i32, i32
  }
  func.func @transform_1(%arg0: i32) -> (i32, i32) {
    %c0_i32 = arith.constant 0 : i32
    %c0_i32_0 = arith.constant 0 : i32
    return %arg0, %c0_i32 : i32, i32
  }
  func.func @transform_2(%arg0: i32) -> (i32, i32) {
    %c0_i32 = arith.constant 0 : i32
    %c0_i32_0 = arith.constant 0 : i32
    %c0_i32_1 = arith.constant 0 : i32
    return %c0_i32, %c0_i32_0 : i32, i32
  }
  func.func @transform_3(%arg0: i32) -> (i32, i32) {
    %c0_i32 = arith.constant 0 : i32
    %c0_i32_0 = arith.constant 0 : i32
    %c0_i32_1 = arith.constant 0 : i32
    return %c0_i32, %c0_i32_0 : i32, i32
  }
  func.func @transform_4(%arg0: i32) -> (i32, i32) {
    %c0_i32 = arith.constant 0 : i32
    %c0_i32_0 = arith.constant 0 : i32
    %c0_i32_1 = arith.constant 0 : i32
    return %c0_i32, %c0_i32_0 : i32, i32
  }
  func.func @transform_5(%arg0: i32) -> (i32, i32) {
    %c0_i32 = arith.constant 0 : i32
    %c0_i32_0 = arith.constant 0 : i32
    %c0_i32_1 = arith.constant 0 : i32
    return %c0_i32, %c0_i32_0 : i32, i32
  }
  func.func @transform_6(%arg0: i32) -> (i32, i32) {
    %c0_i32 = arith.constant 0 : i32
    %c0_i32_0 = arith.constant 0 : i32
    %c0_i32_1 = arith.constant 0 : i32
    return %c0_i32, %c0_i32_0 : i32, i32
  }
  func.func @transform_7(%arg0: i32) -> (i32, i32) {
    %c0_i32 = arith.constant 0 : i32
    %c0_i32_0 = arith.constant 0 : i32
    %c0_i32_1 = arith.constant 0 : i32
    return %c0_i32, %c0_i32_0 : i32, i32
  }
  func.func @transform_8(%arg0: i32) -> (i32, i32) {
    %c0_i32 = arith.constant 0 : i32
    %c0_i32_0 = arith.constant 0 : i32
    %c0_i32_1 = arith.constant 0 : i32
    return %c0_i32, %c0_i32_0 : i32, i32
  }
  func.func @transform_9(%arg0: i32) -> (i32, i32) {
    %c0_i32 = arith.constant 0 : i32
    %c0_i32_0 = arith.constant 0 : i32
    %c0_i32_1 = arith.constant 0 : i32
    return %c0_i32, %c0_i32_0 : i32, i32
  }
  func.func @transform_10(%arg0: i32) -> (i32, i32) {
    %c0_i32 = arith.constant 0 : i32
    %c0_i32_0 = arith.constant 0 : i32
    %c0_i32_1 = arith.constant 0 : i32
    return %c0_i32, %c0_i32_0 : i32, i32
  }
  func.func @transform_11(%arg0: i32) -> (i32, i32) {
    %c0_i32 = arith.constant 0 : i32
    %c0_i32_0 = arith.constant 0 : i32
    return %arg0, %c0_i32 : i32, i32
  }
}

module attributes {stable_mosaic.version = 14 : i64} {
  func.func @_mlp_body(%arg0: i32, %arg1: memref<3584x128xf32, #tpu.memory_space<vmem>>, %arg2: memref<3584x128xf32, #tpu.memory_space<vmem>>, %arg3: memref<128x32xbf16, #tpu.memory_space<vmem>>, %arg4: memref<128x32xbf16, #tpu.memory_space<vmem>>, %arg5: memref<1x32xf32, #tpu.memory_space<vmem>>, %arg6: memref<32x16xf32, #tpu.memory_space<vmem>>, %arg7: memref<1x16xf32, #tpu.memory_space<vmem>>, %arg8: memref<16x8xf32, #tpu.memory_space<vmem>>, %arg9: memref<1x8xf32, #tpu.memory_space<vmem>>, %arg10: memref<8x1xf32, #tpu.memory_space<vmem>>, %arg11: memref<1x1xf32, #tpu.memory_space<vmem>>, %arg12: memref<3584x1xbf16, #tpu.memory_space<vmem>>) attributes {dimension_semantics = [#tpu.dimension_semantics<arbitrary>], iteration_bounds = array<i64: 2>, scalar_prefetch = 0 : i64, scratch_operands = 0 : i64, tpu.core_type = #tpu.core_type<tc>, window_params = [{transform_indices = @transform_0, window_bounds = array<i64: 3584, 128>}, {transform_indices = @transform_1, window_bounds = array<i64: 3584, 128>}, {pipeline_mode = #tpu.pipeline_mode<synchronous>, transform_indices = @transform_2, window_bounds = array<i64: 128, 32>}, {pipeline_mode = #tpu.pipeline_mode<synchronous>, transform_indices = @transform_3, window_bounds = array<i64: 128, 32>}, {pipeline_mode = #tpu.pipeline_mode<synchronous>, transform_indices = @transform_4, window_bounds = array<i64: 1, 32>}, {pipeline_mode = #tpu.pipeline_mode<synchronous>, transform_indices = @transform_5, window_bounds = array<i64: 32, 16>}, {pipeline_mode = #tpu.pipeline_mode<synchronous>, transform_indices = @transform_6, window_bounds = array<i64: 1, 16>}, {pipeline_mode = #tpu.pipeline_mode<synchronous>, transform_indices = @transform_7, window_bounds = array<i64: 16, 8>}, {pipeline_mode = #tpu.pipeline_mode<synchronous>, transform_indices = @transform_8, window_bounds = array<i64: 1, 8>}, {pipeline_mode = #tpu.pipeline_mode<synchronous>, transform_indices = @transform_9, window_bounds = array<i64: 8, 1>}, {pipeline_mode = #tpu.pipeline_mode<synchronous>, transform_indices = @transform_10, window_bounds = array<i64: 1, 1>}, {transform_indices = @transform_11, window_bounds = array<i64: 3584, 1>}]} {
    %get3A = arith.constant 0 : index
    %get3A_0 = arith.constant 0 : index
    %get3A_1 = vector.load %arg1[%get3A, %get3A_0] : memref<3584x128xf32, #tpu.memory_space<vmem>>, vector<3584x128xf32>
    %convert_element_type3A = arith.truncf %get3A_1 : vector<3584x128xf32> to vector<3584x128xbf16>
    %get3A_2 = arith.constant 0 : index
    %get3A_3 = arith.constant 0 : index
    %get3A_4 = vector.load %arg3[%get3A_2, %get3A_3] : memref<128x32xbf16, #tpu.memory_space<vmem>>, vector<128x32xbf16>
    %dot_general3A = arith.constant dense<0.000000e+00> : vector<3584x32xf32>
    %dot_general3A_5 = tpu.matmul %convert_element_type3A, %get3A_4, %dot_general3A {dimension_numbers = #tpu.dot_dimension_numbers<[1], [0], [0], [1], [0, 0, 1, 1], [], []>, transpose_lhs_hint = false} : vector<3584x128xbf16>, vector<128x32xbf16>, vector<3584x32xf32> -> vector<3584x32xf32>
    %get3A_6 = arith.constant 0 : index
    %get3A_7 = arith.constant 0 : index
    %get3A_8 = vector.load %arg2[%get3A_6, %get3A_7] : memref<3584x128xf32, #tpu.memory_space<vmem>>, vector<3584x128xf32>
    %convert_element_type3A_9 = arith.truncf %get3A_8 : vector<3584x128xf32> to vector<3584x128xbf16>
    %get3A_10 = arith.constant 0 : index
    %get3A_11 = arith.constant 0 : index
    %get3A_12 = vector.load %arg4[%get3A_10, %get3A_11] : memref<128x32xbf16, #tpu.memory_space<vmem>>, vector<128x32xbf16>
    %dot_general3A_13 = arith.constant dense<0.000000e+00> : vector<3584x32xf32>
    %dot_general3A_14 = tpu.matmul %convert_element_type3A_9, %get3A_12, %dot_general3A_13 {dimension_numbers = #tpu.dot_dimension_numbers<[1], [0], [0], [1], [0, 0, 1, 1], [], []>, transpose_lhs_hint = false} : vector<3584x128xbf16>, vector<128x32xbf16>, vector<3584x32xf32> -> vector<3584x32xf32>
    %add3A = arith.addf %dot_general3A_5, %dot_general3A_14 : vector<3584x32xf32>
    %get3A_15 = arith.constant 0 : index
    %get3A_16 = arith.constant 0 : index
    %get3A_17 = vector.load %arg5[%get3A_15, %get3A_16] : memref<1x32xf32, #tpu.memory_space<vmem>>, vector<1x32xf32>
    %add3A_18 = vector.broadcast %get3A_17 : vector<1x32xf32> to vector<3584x32xf32>
    %add3A_19 = arith.addf %add3A, %add3A_18 : vector<3584x32xf32>
    %max3A = arith.constant 0.000000e+00 : f32
    %max3A_20 = vector.broadcast %max3A : f32 to vector<3584x32xf32>
    %max3A_21 = arith.maximumf %add3A_19, %max3A_20 : vector<3584x32xf32>
    %get3A_22 = arith.constant 0 : index
    %get3A_23 = arith.constant 0 : index
    %get3A_24 = vector.load %arg6[%get3A_22, %get3A_23] : memref<32x16xf32, #tpu.memory_space<vmem>>, vector<32x16xf32>
    %dot_general3A_25 = arith.constant dense<0.000000e+00> : vector<3584x16xf32>
    %dot_general3A_26 = tpu.matmul %max3A_21, %get3A_24, %dot_general3A_25 {dimension_numbers = #tpu.dot_dimension_numbers<[1], [0], [0], [1], [0, 0, 1, 1], [], []>, transpose_lhs_hint = false} : vector<3584x32xf32>, vector<32x16xf32>, vector<3584x16xf32> -> vector<3584x16xf32>
    %get3A_27 = arith.constant 0 : index
    %get3A_28 = arith.constant 0 : index
    %get3A_29 = vector.load %arg7[%get3A_27, %get3A_28] : memref<1x16xf32, #tpu.memory_space<vmem>>, vector<1x16xf32>
    %add3A_30 = vector.broadcast %get3A_29 : vector<1x16xf32> to vector<3584x16xf32>
    %add3A_31 = arith.addf %dot_general3A_26, %add3A_30 : vector<3584x16xf32>
    %max3A_32 = arith.constant 0.000000e+00 : f32
    %max3A_33 = vector.broadcast %max3A_32 : f32 to vector<3584x16xf32>
    %max3A_34 = arith.maximumf %add3A_31, %max3A_33 : vector<3584x16xf32>
    %get3A_35 = arith.constant 0 : index
    %get3A_36 = arith.constant 0 : index
    %get3A_37 = vector.load %arg8[%get3A_35, %get3A_36] : memref<16x8xf32, #tpu.memory_space<vmem>>, vector<16x8xf32>
    %dot_general3A_38 = arith.constant dense<0.000000e+00> : vector<3584x8xf32>
    %dot_general3A_39 = tpu.matmul %max3A_34, %get3A_37, %dot_general3A_38 {dimension_numbers = #tpu.dot_dimension_numbers<[1], [0], [0], [1], [0, 0, 1, 1], [], []>, transpose_lhs_hint = false} : vector<3584x16xf32>, vector<16x8xf32>, vector<3584x8xf32> -> vector<3584x8xf32>
    %get3A_40 = arith.constant 0 : index
    %get3A_41 = arith.constant 0 : index
    %get3A_42 = vector.load %arg9[%get3A_40, %get3A_41] : memref<1x8xf32, #tpu.memory_space<vmem>>, vector<1x8xf32>
    %add3A_43 = vector.broadcast %get3A_42 : vector<1x8xf32> to vector<3584x8xf32>
    %add3A_44 = arith.addf %dot_general3A_39, %add3A_43 : vector<3584x8xf32>
    %max3A_45 = arith.constant 0.000000e+00 : f32
    %max3A_46 = vector.broadcast %max3A_45 : f32 to vector<3584x8xf32>
    %max3A_47 = arith.maximumf %add3A_44, %max3A_46 : vector<3584x8xf32>
    %get3A_48 = arith.constant 0 : index
    %get3A_49 = arith.constant 0 : index
    %get3A_50 = vector.load %arg10[%get3A_48, %get3A_49] : memref<8x1xf32, #tpu.memory_space<vmem>>, vector<8x1xf32>
    %dot_general3A_51 = arith.constant dense<0.000000e+00> : vector<3584x1xf32>
    %dot_general3A_52 = tpu.matmul %max3A_47, %get3A_50, %dot_general3A_51 {dimension_numbers = #tpu.dot_dimension_numbers<[1], [0], [0], [1], [0, 0, 1, 1], [], []>, transpose_lhs_hint = false} : vector<3584x8xf32>, vector<8x1xf32>, vector<3584x1xf32> -> vector<3584x1xf32>
    %get3A_53 = arith.constant 0 : index
    %get3A_54 = arith.constant 0 : index
    %get3A_55 = vector.load %arg11[%get3A_53, %get3A_54] : memref<1x1xf32, #tpu.memory_space<vmem>>, vector<1x1xf32>
    %add3A_56 = vector.broadcast %get3A_55 : vector<1x1xf32> to vector<3584x1xf32>
    %add3A_57 = arith.addf %dot_general3A_52, %add3A_56 : vector<3584x1xf32>
    %exp23A = math.exp2 %add3A_57 : vector<3584x1xf32>
    %add3A_58 = arith.constant 1.000000e+00 : f32
    %add3A_59 = vector.broadcast %add3A_58 : f32 to vector<3584x1xf32>
    %add3A_60 = arith.addf %add3A_59, %exp23A : vector<3584x1xf32>
    %div3A = arith.constant 1.000000e+00 : f32
    %div3A_61 = vector.broadcast %div3A : f32 to vector<3584x1xf32>
    %div3A_62 = arith.divf %div3A_61, %add3A_60 : vector<3584x1xf32>
    %convert_element_type3A_63 = arith.truncf %div3A_62 : vector<3584x1xf32> to vector<3584x1xbf16>
    %swap3A = arith.constant 0 : index
    %swap3A_64 = arith.constant 0 : index
    %swap3A_65 = vector.load %arg12[%swap3A, %swap3A_64] : memref<3584x1xbf16, #tpu.memory_space<vmem>>, vector<3584x1xbf16>
    tpu.vector_store %arg12[%swap3A, %swap3A_64], %convert_element_type3A_63 {strides = array<i32>} : memref<3584x1xbf16, #tpu.memory_space<vmem>>, vector<3584x1xbf16>,
    return
  }
  func.func @transform_0(%arg0: i32) -> (i32, i32) {
    %c0_i32 = arith.constant 0 : i32
    %c0_i32_0 = arith.constant 0 : i32
    return %arg0, %c0_i32 : i32, i32
  }
  func.func @transform_1(%arg0: i32) -> (i32, i32) {
    %c0_i32 = arith.constant 0 : i32
    %c0_i32_0 = arith.constant 0 : i32
    return %arg0, %c0_i32 : i32, i32
  }
  func.func @transform_2(%arg0: i32) -> (i32, i32) {
    %c0_i32 = arith.constant 0 : i32
    %c0_i32_0 = arith.constant 0 : i32
    %c0_i32_1 = arith.constant 0 : i32
    return %c0_i32, %c0_i32_0 : i32, i32
  }
  func.func @transform_3(%arg0: i32) -> (i32, i32) {
    %c0_i32 = arith.constant 0 : i32
    %c0_i32_0 = arith.constant 0 : i32
    %c0_i32_1 = arith.constant 0 : i32
    return %c0_i32, %c0_i32_0 : i32, i32
  }
  func.func @transform_4(%arg0: i32) -> (i32, i32) {
    %c0_i32 = arith.constant 0 : i32
    %c0_i32_0 = arith.constant 0 : i32
    %c0_i32_1 = arith.constant 0 : i32
    return %c0_i32, %c0_i32_0 : i32, i32
  }
  func.func @transform_5(%arg0: i32) -> (i32, i32) {
    %c0_i32 = arith.constant 0 : i32
    %c0_i32_0 = arith.constant 0 : i32
    %c0_i32_1 = arith.constant 0 : i32
    return %c0_i32, %c0_i32_0 : i32, i32
  }
  func.func @transform_6(%arg0: i32) -> (i32, i32) {
    %c0_i32 = arith.constant 0 : i32
    %c0_i32_0 = arith.constant 0 : i32
    %c0_i32_1 = arith.constant 0 : i32
    return %c0_i32, %c0_i32_0 : i32, i32
  }
  func.func @transform_7(%arg0: i32) -> (i32, i32) {
    %c0_i32 = arith.constant 0 : i32
    %c0_i32_0 = arith.constant 0 : i32
    %c0_i32_1 = arith.constant 0 : i32
    return %c0_i32, %c0_i32_0 : i32, i32
  }
  func.func @transform_8(%arg0: i32) -> (i32, i32) {
    %c0_i32 = arith.constant 0 : i32
    %c0_i32_0 = arith.constant 0 : i32
    %c0_i32_1 = arith.constant 0 : i32
    return %c0_i32, %c0_i32_0 : i32, i32
  }
  func.func @transform_9(%arg0: i32) -> (i32, i32) {
    %c0_i32 = arith.constant 0 : i32
    %c0_i32_0 = arith.constant 0 : i32
    %c0_i32_1 = arith.constant 0 : i32
    return %c0_i32, %c0_i32_0 : i32, i32
  }
  func.func @transform_10(%arg0: i32) -> (i32, i32) {
    %c0_i32 = arith.constant 0 : i32
    %c0_i32_0 = arith.constant 0 : i32
    %c0_i32_1 = arith.constant 0 : i32
    return %c0_i32, %c0_i32_0 : i32, i32
  }
  func.func @transform_11(%arg0: i32) -> (i32, i32) {
    %c0_i32 = arith.constant 0 : i32
    %c0_i32_0 = arith.constant 0 : i32
    return %arg0, %c0_i32 : i32, i32
  }
}

</mosaic_0001>

<sc_bundles>
// kernel: kernel.6.cloned.1.call-start
scs
__scs_entry_jumppad:
0x0: {  	(pc) =	sbr.rel $0x88, $3  }
0x1: {  	(tag) =	ssettag $0x0;
	lr =	simm.s32 $0x1  }
0x2: {  	[smem:$0x3F95] =	sst lr;
	_ =	strace $0xD0000000  }
0x3: {  	_ = 	snop  }
0x4: {  	_ = 	snop  }
0x5: {  	_ = 	snop  }
0x6: {  	_ = 	snop  }
0x7: {  	_ = 	snop  }
__scs_overlays_trampoline_lowered:
0x8: {  	[smem:$0x3FA4] =	sst s0  }
0x9: {  	[smem:$0x3FA5] =	sst s1  }
0xa: {  	[smem:$0x3FA6] =	sst s2  }
0xb: {  	[smem:$0x3FA7] =	sst s3  }
0xc: {  	[smem:$0x3FA8] =	sst s4  }
0xd: {  	[smem:$0x3FA9] =	sst s5  }
0xe: {  	[smem:$0x3FAA] =	sst s6  }
0xf: {  	[smem:$0x3FAB] =	sst s7  }
0x10: {  	[smem:$0x3FAC] =	sst s8  }
0x11: {  	[smem:$0x3FAD] =	sst s9;
	s0 =	simm.s32 @!p0 $0x0  }
0x12: {  	s1 =	sld [smem:$0x3F93];
	s0 =	simm.s32 @p0 $0x1  }
0x13: {  	[smem:$0x3FAE] =	sst s0;
	s0 =	simm.s32 @!p1 $0x0  }
0x14: {  	s2 =	sld [smem:$0x3F92];
	s0 =	simm.s32 @p1 $0x1  }
0x15: {  	[smem:$0x3FAF] =	sst s0;
	s0 =	simm.s32 @!p2 $0x0  }
0x16: {  	s3 =	sld [smem:$0x3FDB];
	s0 =	simm.s32 @p2 $0x1  }
0x17: {  	s4 =	simm.s32 $0x1BF5;
	[smem:$0x3FB1] =	sst s0  }
0x18: {  	s0 =	sld [smem:$0x3F94];
	_ =	swait.ge [sflag:s4], $0x0  }
0x19: {  	s7 =	sld [smem:$0x3F95]  }
0x1a: {  	s8 =	sadd.s32 $0xFFFFE003, lr  }
0x1b: {  	s9 =	sadd.s32 $0xFFFFFEF7, lr;
	s5 =	simm.s32 $0xFFFFFFFF;
	p2 =	slt.u32 s8, $0xFFFFF086  }
0x1c: {  	p1 =	slt.u32 s9, $0xF7A;
	s5 =	simm.s32 @!p2 $0x0  }
0x1d: {  	s5 =	simm.s32 @p1 $0x1;
	p0 =	seq.s32 s7, s2  }
0x1e: {  	s7 =	smul.u32 @!p0 $0xF7A, s2;
	p2 =	seq.s32 @!p0 s5, $0x0  }
0x1f: {  	s9 =	smul.u32 $0xF7A, s1;
	s8 =	simm.s32 @!p0 $0x1BF5;
	p2 =	por !p2, p0  }
0x20: {  	[sflag:s8] =	ssyncset.s32 @!p0 $0xFFFFF086;
	s6 =	sadd.s32 @!p0 s3, s7;
	s7 =	simm.s32 @!p0 $0x108  }
0x21: {  	s3 =	sadd.s32 s3, s9;
	s6 =	sadd.s32 @!p0 $0x88, s6;
	s7 =	simm.s32 @p2 $0x1082  }
0x22: {  	[simem:s7], [sflag:s8] =	dma.local @!p0 [hbm:s6], $0xF7A  }
0x23: {  	s9 =	sor.u32 $0xD0000000, s2;
	s6 =	simm.s32 $0x108;
	_ =	swait.ge @!p0 [sflag:s8], $0x0  }
0x24: {  	s3 =	sadd.s32 $0x88, s3;
	s6 =	simm.s32 @!p1 $0x1082;
	[sflag:s4] =	ssyncset.s32 $0xFFFFF086  }
0x25: {  	[simem:s6], [sflag:s4] =	dma.local [hbm:s3], $0xF7A  }
0x26: {  	[smem:$0x3F95] =	sst s1;
	(tag) =	ssettag s2;
	_ =	strace s9  }
0x27: {  	s1 =	sld [smem:$0x3FA5]  }
0x28: {  	s2 =	sld [smem:$0x3FA6]  }
0x29: {  	s4 =	sld [smem:$0x3FA8]  }
0x2a: {  	p0 =	seq.s32 s5, $0x0;
	s5 =	sld [smem:$0x3FA9]  }
0x2b: {  	s6 =	sld [smem:$0x3FAA]  }
0x2c: {  	s7 =	sld [smem:$0x3FAB]  }
0x2d: {  	s3 =	simm.s32 $0x108;
	s8 =	sld [smem:$0x3FAC]  }
0x2e: {  	s3 =	simm.s32 @!p0 $0x1082;
	s9 =	sld [smem:$0x3FAD]  }
0x2f: {  	lr =	sadd.s32 s0, s3;
	s0 =	sld [smem:$0x3FA4]  }
0x30: {  	s3 =	sld [smem:$0x3FA7]  }
0x31: {  	[smem:$0x3FB0] =	sst s10  }
0x32: {  	s10 =	sld [smem:$0x3FAE];
	_ =	sdelay $0x3  }
0x33: {  	p0 =	seq.s32 s10, $0x1;
	s10 =	sld [smem:$0x3FB0];
	_ =	sdelay $0x3  }
0x34: {  	[smem:$0x3FB0] =	sst s10  }
0x35: {  	s10 =	sld [smem:$0x3FAF];
	_ =	sdelay $0x3  }
0x36: {  	p1 =	seq.s32 s10, $0x1;
	s10 =	sld [smem:$0x3FB0];
	_ =	sdelay $0x3  }
0x37: {  	[smem:$0x3FB0] =	sst s10  }
0x38: {  	s10 =	sld [smem:$0x3FB1]  }
0x39: {  	_ = 	snop;
	(pc) =	sbr.ind lr, $3  }
0x3a: {  	_ = 	snop  }
0x3b: {  	_ = 	snop  }
0x3c: {  	p2 =	seq.s32 s10, $0x1;
	s10 =	sld [smem:$0x3FB0]  }
0x3d: {  	_ =	shalt  }
0x3e: {  	_ =	shalt  }
0x3f: {  	_ =	shalt  }
0x40: {  	_ =	shalt  }
0x41: {  	_ =	shalt  }
0x42: {  	_ =	shalt  }
0x43: {  	_ =	shalt  }
0x44: {  	_ =	shalt  }
0x45: {  	_ =	shalt  }
0x46: {  	_ =	shalt  }
0x47: {  	_ =	shalt  }
0x48: {  	_ =	shalt  }
0x49: {  	_ =	shalt  }
0x4a: {  	_ =	shalt  }
0x4b: {  	_ =	shalt  }
0x4c: {  	_ =	shalt  }
0x4d: {  	_ =	shalt  }
0x4e: {  	_ =	shalt  }
0x4f: {  	_ =	shalt  }
0x50: {  	_ =	shalt  }
0x51: {  	_ =	shalt  }
0x52: {  	_ =	shalt  }
0x53: {  	_ =	shalt  }
0x54: {  	_ =	shalt  }
0x55: {  	_ =	shalt  }
0x56: {  	_ =	shalt  }
0x57: {  	_ =	shalt  }
0x58: {  	_ =	shalt  }
0x59: {  	_ =	shalt  }
0x5a: {  	_ =	shalt  }
0x5b: {  	_ =	shalt  }
0x5c: {  	_ =	shalt  }
0x5d: {  	_ =	shalt  }
0x5e: {  	_ =	shalt  }
0x5f: {  	_ =	shalt  }
0x60: {  	_ =	shalt  }
0x61: {  	_ =	shalt  }
0x62: {  	_ =	shalt  }
0x63: {  	_ =	shalt  }
0x64: {  	_ =	shalt  }
0x65: {  	_ =	shalt  }
0x66: {  	_ =	shalt  }
0x67: {  	_ =	shalt  }
0x68: {  	_ =	shalt  }
0x69: {  	_ =	shalt  }
0x6a: {  	_ =	shalt  }
0x6b: {  	_ =	shalt  }
0x6c: {  	_ =	shalt  }
0x6d: {  	_ =	shalt  }
0x6e: {  	_ =	shalt  }
0x6f: {  	_ =	shalt  }
0x70: {  	_ =	shalt  }
0x71: {  	_ =	shalt  }
0x72: {  	_ =	shalt  }
0x73: {  	_ =	shalt  }
0x74: {  	_ =	shalt  }
0x75: {  	_ =	shalt  }
0x76: {  	_ =	shalt  }
0x77: {  	_ =	shalt  }
0x78: {  	_ =	shalt  }
0x79: {  	_ =	shalt  }
0x7a: {  	_ =	shalt  }
0x7b: {  	_ =	shalt  }
0x7c: {  	_ =	shalt  }
0x7d: {  	_ =	shalt  }
0x7e: {  	_ =	shalt  }
0x7f: {  	_ =	shalt  }
0x80: {  	_ =	shalt  }
0x81: {  	_ =	shalt  }
0x82: {  	_ =	shalt  }
0x83: {  	_ =	shalt  }
0x84: {  	_ =	shalt  }
0x85: {  	_ =	shalt  }
0x86: {  	_ =	shalt  }
0x87: {  	_ =	shalt  }
.Lfunc_end0:
.L_simem_size_0:
called_computation_lowered:
.L_overlay_start_0:
0x88: {  	s2 =	sld [smem:$0x3FD9]  }
0x89: {  	s3 =	sld [smem:$0x3FFE];
	_ =	sdelay $0x1  }
0x8a: {  	s1 =	srdreg.scid  }
0x8b: {  	s0 =	sand.u32 $0x1, s1  }
0x8c: {  	s17 =	sshll.u32 s0, $0xA;
	s2 =	sadd.s32 s3, s2  }
0x8d: {  	s2 =	sadd.s32 s2, s17  }
0x8e: {  	[smem:$0x3FBC] =	sst s2  }
0x8f: {  	_ = 	snop  }
0x90: {  	s2 =	sld [smem:$0x3FC9]  }
0x91: {  	s18 =	sld [smem:$0x3FC8]  }
0x92: {  	s4 =	sld [smem:$0x3FC7]  }
0x93: {  	s5 =	sld [smem:$0x3FC6];
	(tm) =	ssettm $0x1  }
0x94: {  	s6 =	sld [smem:$0x3FFB];
	_ =	sdelay $0x3  }
0x95: {  	_ =	strace s6  }
0x96: {  	s6 =	sld [smem:$0x3FFC];
	_ =	sdelay $0x3  }
0x97: {  	_ =	strace s6  }
0x98: {  	s6 =	sld [smem:$0x3FFD];
	_ =	sdelay $0x3  }
0x99: {  	_ =	strace s6  }
0x9a: {  	_ =	strace $0x8FFFFFFF  }
0x9b: {  	s19 =	sld [smem:$0x3FDB];
	_ =	sdelay $0x1  }
0x9c: {  	s7 =	simm.s32 $_scs_section_size  }
0x9d: {  	s8 =	simm.s32 $_size__tile_overlayer_lowered;
	s9 =	simm.s32 $_tile_overlayer_lowered  }
0x9e: {  	s22 =	simm.s32 $0x1BFF;
	s21 =	sshll.u32 s9, $0x1;
	s6 =	sadd.s32 s7, s19  }
0x9f: {  	s10 =	simm.s32 $0x0;
	s20 =	sshll.u32 s8, $0x1;
	s8 =	sadd.s32 s21, s6  }
0xa0: {  	[timem:s10], [sflag:s22] =	dma.local [hbm:s8], s20  }
0xa1: {  	_ =	swait.ge [sflag:s22], s20  }
0xa2: {  	s7 =	ssub.s32 $0x0, s20;
	[sflag:s22] =	ssyncset.done $0x0  }
0xa3: {  	[sflag:s22] =	ssyncadd.s32 s7;
	_ =	sdelay $0x1  }
0xa4: {  	s23 =	simm.s32 $0x1B8B  }
0xa5: {  	_ =	swait.ge [sflag:s23], $0x1  }
0xa6: {  	[sflag:s23] =	ssyncset.done $0x0  }
0xa7: {  	s25 =	simm.s32 $0x1B8E;
	s24 =	sld [smem:$0x3FFE];
	[sflag:s23] =	ssyncadd.s32 $0xFFFFFFFF  }
0xa8: {  	s26 =	simm.s32 $execute0_lowered;
	[smem:$0x3FD2] =	sst s25  }
0xa9: {  	s8 =	sshll.u32 s26, $0x1;
	_ =	strace $0x80000046;
	[dreg:$0x1] =	wrdreg $0xFFFFFFFF  }
0xaa: {  	s28 =	simm.s32 $_size_execute0_lowered;
	s6 =	sadd.s32 s6, s8;
	[dreg:$0x0] =	wrdreg $0x0  }
0xab: {  	s8 =	sshll.u32 s28, $0x1;
	[dreg:$0x2] =	wrdreg s6  }
0xac: {  	[dreg:$0x3] =	wrdreg s8  }
0xad: {  	[dreg:$0x4] =	wrdreg $0xC0  }
0xae: {  	_ =	task [dreg:s10], $0x5FFFF  }
0xaf: {  	[dreg:$0x1] =	wrdreg $0xFFFFFFFF  }
0xb0: {  	[dreg:$0x0] =	wrdreg $0x60  }
0xb1: {  	[dreg:$0x2] =	wrdreg s4  }
0xb2: {  	[dreg:$0x3] =	wrdreg s5  }
0xb3: {  	[dreg:$0x4] =	wrdreg s2  }
0xb4: {  	[dreg:$0x5] =	wrdreg s18  }
0xb5: {  	[dreg:$0x6] =	wrdreg s24  }
0xb6: {  	[dreg:$0x7] =	wrdreg $0x9  }
0xb7: {  	_ =	task.clear_ibuf [dreg:s10], $0x8FFFF;
	_ =	strace $0x90000046  }
0xb8: {  	s29 =	simm.s32 $0x9;
	_ =	strace $0x80000048  }
0xb9: {  	_ =	swait.ge [sflag:s29], $0x1  }
0xba: {  	[sflag:s29] =	ssyncadd.s32 $0xFFFFFFFF  }
0xbb: {  	_ =	strace $0x90000048  }
0xbc: {  	_ =	sfence  }
0xbd: {  	s30 =	sld [smem:$0x0];
	_ =	sdelay $0x2  }
0xbe: {  	s31 =	sshll.u32 s1, $0xD;
	s1 =	sshrl.u32 s1, $0x2  }
0xbf: {  	s3 =	sand.u32 $0x4000, s31;
	s1 =	sadd.s32 s1, s30  }
0xc0: {  	s0 =	sor.u32 s3, s0;
	s1 =	sshll.u32 s1, $0x11  }
0xc1: {  	s0 =	sor.u32 s1, s0  }
0xc2: {  	s0 =	sadd.s32 $0x8F2B, s0  }
0xc3: {  	[sflag:s0] =	ssyncadd.remote.s32 $0x1  }
0xc4: {  	_ =	sfence.sel $0xFFFF  }
0xc5: {  	[dreg:$0x0] =	wrdreg $0xFFFFFFFF;
	(pc) =	sbr.abs _section_cstart, $3  }
0xc6: {  	[dreg:$0x1] =	wrdreg $0xFFFFFFFF  }
0xc7: {  	_ =	task.clear_ibuf [dreg:s10], $0x2FFFF;
	_ =	strace $0x9FFFFFFF  }
0xc8: {  	(tm) =	ssettm $0x7FFFFFFF  }
0xc9: {  	_ =	shalt  }
tec
execute0_lowered:
.L_overlay_start_1:
0x0: {  	(tag) =	ssettag $0x1  }
0x1: {  	s1 =	rddreg [dreg:$0x0]  }
0x2: {  	s2 =	rddreg [dreg:$0x1]  }
0x3: {  	s3 =	srdreg.scid;
	s0 =	stileid.u32  }
0x4: {  	s5 =	rddreg [dreg:$0x2];
	s14 =	sand.u32 $0x1, s3;
	s31 =	sshll.u32 s0, $0x1  }
0x5: {  	s6 =	rddreg [dreg:$0x3];
	s12 =	sor.u32 s14, s31  }
0x6: {  	s13 =	rddreg [dreg:$0x4];
	s4 =	simm.s32 $0x0;
	s7 =	smul.u32 $0x24, s12  }
0x7: {  	[smem:$0x7FF] =	sst s4  }
0x8: {  	s3 =	rddreg [dreg:$0x5];
	_ =	strace $0x80000047;
	s5 =	sadd.s32 s5, s7  }
0x9: {  	[tilespmem:s4], [sflag:$0x1] =	stream.linear.gather [hbm4b:s5+s4], $0x120, $0x38;
	[tilespmem:$0x12300] =	vst v63  }
0xa: {  	s8 =	simm.s32 $0x1;
	s6 =	sadd.s32 s6, s7;
	s7 =	simm.s32 $0x180  }
0xb: {  	[tilespmem:s7], [sflag:$0x2] =	stream.linear.gather [hbm4b:s6+s4], $0x120, $0x38;
	[tilespmem:$0x12300] =	vst v63  }
0xc: {  	_ =	swait.ge [sflag:s8], $0x120  }
0xd: {  	s9 =	simm.s32 $0x120;
	[sflag:s8] =	ssyncset.done $0x0  }
0xe: {  	s10 =	simm.s32 $0x300;
	s11 =	simm.s32 $0x2;
	[sflag:s8] =	ssyncadd.s32 $0xFFFFFEE0  }
0xf: {  	[tilespmem:s10], [sflag:$0x1] =	stream.indirect.gather [hbm4b:s1+s9], $0x80, s4, s9, $0xb8;
	[tilespmem:$0x12300] =	vst v63  }
0x10: {  	_ =	swait.ge [sflag:s11], $0x120  }
0x11: {  	[sflag:s11] =	ssyncset.done $0x0  }
0x12: {  	s15 =	smul.u32 $0x1200, s12;
	s12 =	simm.s32 $0x9300;
	[sflag:s11] =	ssyncadd.s32 $0xFFFFFEE0  }
0x13: {  	[tilespmem:s12], [sflag:$0x2] =	stream.indirect.gather [hbm4b:s2+s9], $0x80, s7, s9, $0xb8;
	[tilespmem:$0x12300] =	vst v63  }
0x14: {  	_ =	swait.ge [sflag:s8], $0x9000  }
0x15: {  	s16 =	ssub.s32 $0x2, s14;
	s15 =	sadd.s32 s15, s13;
	[sflag:s8] =	ssyncset.done $0x0  }
0x16: {  	s17 =	sshrl.u32 s16, $0x1;
	s13 =	sadd.s32 $0x2800, s15;
	[sflag:s8] =	ssyncadd.s32 $0xFFFF7000  }
0x17: {  	[hbm4b:s13+s4] =	stream.linear.scatter [tilespmem:s10], [sflag:$0x3], $0x9000, $0x38;
	[tilespmem:$0x12300] =	vst v63  }
0x18: {  	s16 =	ssub.s32 s16, s17;
	_ =	swait.ge [sflag:s11], $0x9000  }
0x19: {  	s17 =	smax.u32 s16, $0x1;
	s14 =	sadd.s32 $0x26800, s15;
	[sflag:s11] =	ssyncset.done $0x0  }
0x1a: {  	s15 =	simm.s32 $0x3;
	p0 =	sne.s32 s17, $0x1;
	[sflag:s11] =	ssyncadd.s32 $0xFFFF7000  }
0x1b: {  	[hbm4b:s14+s4] =	stream.linear.scatter [tilespmem:s12], [sflag:$0x4], $0x9000, $0x38;
	[tilespmem:$0x12300] =	vst v63  }
.Ltmp0:
0x1c: {  	_ =	swait.ge [sflag:s15], $0x9000;
	(pc) =	sbr.rel @!p0 .LBB2_2-.Ltmp0, $4  }
0x1d: {  	[sflag:s15] =	ssyncset.done $0x0  }
0x1e: {  	s16 =	simm.s32 $0x4;
	[sflag:s15] =	ssyncadd.s32 $0xFFFF7000  }
0x1f: {  	_ =	swait.ge [sflag:s16], $0x9000  }
0x20: {  	s17 =	sadd.s32 $0xFFFFFFFF, s17;
	[sflag:s16] =	ssyncset.done $0x0  }
.LBB2_1:
0x21: {  	p0 =	sne.s32 s17, $0x1;
	s17 =	sadd.s32 $0xFFFFFFFF, s17;
	[sflag:s16] =	ssyncadd.s32 $0xFFFF7000  }
0x22: {  	[tilespmem:s4], [sflag:$0x1] =	stream.linear.gather [hbm4b:s5+s4], $0x120, $0x38;
	[tilespmem:$0x12300] =	vst v63  }
0x23: {  	_ = 	snop  }
0x24: {  	[tilespmem:s7], [sflag:$0x2] =	stream.linear.gather [hbm4b:s6+s4], $0x120, $0x38;
	[tilespmem:$0x12300] =	vst v63  }
0x25: {  	_ =	swait.ge [sflag:s8], $0x120  }
0x26: {  	[sflag:s8] =	ssyncset.done $0x0  }
0x27: {  	[sflag:s8] =	ssyncadd.s32 $0xFFFFFEE0  }
0x28: {  	[tilespmem:s10], [sflag:$0x1] =	stream.indirect.gather [hbm4b:s1+s9], $0x80, s4, s9, $0xb8;
	[tilespmem:$0x12300] =	vst v63  }
0x29: {  	_ =	swait.ge [sflag:s11], $0x120  }
0x2a: {  	[sflag:s11] =	ssyncset.done $0x0  }
0x2b: {  	[sflag:s11] =	ssyncadd.s32 $0xFFFFFEE0  }
0x2c: {  	[tilespmem:s12], [sflag:$0x2] =	stream.indirect.gather [hbm4b:s2+s9], $0x80, s7, s9, $0xb8;
	[tilespmem:$0x12300] =	vst v63  }
0x2d: {  	_ =	swait.ge [sflag:s8], $0x9000  }
0x2e: {  	[sflag:s8] =	ssyncset.done $0x0  }
0x2f: {  	[sflag:s8] =	ssyncadd.s32 $0xFFFF7000  }
0x30: {  	[hbm4b:s13+s4] =	stream.linear.scatter [tilespmem:s10], [sflag:$0x3], $0x9000, $0x38;
	[tilespmem:$0x12300] =	vst v63  }
0x31: {  	_ =	swait.ge [sflag:s11], $0x9000  }
0x32: {  	[sflag:s11] =	ssyncset.done $0x0  }
0x33: {  	[sflag:s11] =	ssyncadd.s32 $0xFFFF7000  }
0x34: {  	[hbm4b:s14+s4] =	stream.linear.scatter [tilespmem:s12], [sflag:$0x4], $0x9000, $0x38;
	[tilespmem:$0x12300] =	vst v63  }
.Ltmp1:
0x35: {  	_ =	swait.ge [sflag:s15], $0x9000;
	(pc) =	sbr.rel @p0 .LBB2_1-.Ltmp1, $4  }
0x36: {  	[sflag:s15] =	ssyncset.done $0x0  }
0x37: {  	[sflag:s15] =	ssyncadd.s32 $0xFFFF7000  }
0x38: {  	_ =	swait.ge [sflag:s16], $0x9000  }
0x39: {  	[sflag:s16] =	ssyncset.done $0x0  }
.LBB2_2:
0x3a: {  	[sflag:s16] =	ssyncadd.s32 $0xFFFF7000  }
0x3b: {  	_ =	sfence.sel $0x180000  }
0x3c: {  	[bflag:$0x0] =	sbarrier.arrive $0xFFFF  }
0x3d: {  	p0 =	sne.s32 s0, $0x0;
	_ =	strace $0x90000047  }
0x3e: {  	s0 =	sadd.s32 @!p0 $0x100000, s3;
	[bflag:$0x2] =	sbarrier.arrive $0xFFFF  }
0x3f: {  	[sflag:s0] =	ssyncadd.tile.s32 @!p0 $0x1;
	_ =	shalt  }
.Lfunc_end2:
_tile_overlayer_lowered:
.L_overlay_start_2:
0x40: {  	(tag) =	ssettag $0x2  }
0x41: {  	s0 =	rddreg [dreg:$0x0];
	s2 =	stileid.u32  }
0x42: {  	s1 =	rddreg [dreg:$0x1];
	p0 =	sne.s32 s2, $0x0  }
0x43: {  	s3 =	rddreg [dreg:$0x2];
	[bflag:$0x3] =	sbarrier.arrive $0xFFFF;
	s2 =	simm.s32 @!p0 $0x1C05  }
0x44: {  	[timem:s3], [sflag:s2] =	dma.local @!p0 [hbm:s0], s1  }
0x45: {  	s0 =	simm.s32 @!p0 $0x5  }
0x46: {  	_ =	swait.ge @!p0 [sflag:s0], s1  }
0x47: {  	s1 =	ssub.s32 @!p0 $0x0, s1;
	[sflag:s0] =	ssyncset.done @!p0 $0x0  }
0x48: {  	[sflag:s0] =	ssyncadd.s32 @!p0 s1  }
0x49: {  	[bflag:$0x3] =	sbarrier.arrive $0xFFFF  }
0x4a: {  	_ =	shalt  }

// kernel: kernel.9.cloned.1.call-start
scs
__scs_entry_jumppad:
0x0: {  	(pc) =	sbr.rel $0x88, $3  }
0x1: {  	(tag) =	ssettag $0x0;
	lr =	simm.s32 $0x1  }
0x2: {  	[smem:$0x3F95] =	sst lr;
	_ =	strace $0xD0000000  }
0x3: {  	_ = 	snop  }
0x4: {  	_ = 	snop  }
0x5: {  	_ = 	snop  }
0x6: {  	_ = 	snop  }
0x7: {  	_ = 	snop  }
__scs_overlays_trampoline_lowered:
0x8: {  	[smem:$0x3FA4] =	sst s0  }
0x9: {  	[smem:$0x3FA5] =	sst s1  }
0xa: {  	[smem:$0x3FA6] =	sst s2  }
0xb: {  	[smem:$0x3FA7] =	sst s3  }
0xc: {  	[smem:$0x3FA8] =	sst s4  }
0xd: {  	[smem:$0x3FA9] =	sst s5  }
0xe: {  	[smem:$0x3FAA] =	sst s6  }
0xf: {  	[smem:$0x3FAB] =	sst s7  }
0x10: {  	[smem:$0x3FAC] =	sst s8  }
0x11: {  	[smem:$0x3FAD] =	sst s9;
	s0 =	simm.s32 @!p0 $0x0  }
0x12: {  	s1 =	sld [smem:$0x3F93];
	s0 =	simm.s32 @p0 $0x1  }
0x13: {  	[smem:$0x3FAE] =	sst s0;
	s0 =	simm.s32 @!p1 $0x0  }
0x14: {  	s2 =	sld [smem:$0x3F92];
	s0 =	simm.s32 @p1 $0x1  }
0x15: {  	[smem:$0x3FAF] =	sst s0;
	s0 =	simm.s32 @!p2 $0x0  }
0x16: {  	s3 =	sld [smem:$0x3FDB];
	s0 =	simm.s32 @p2 $0x1  }
0x17: {  	s4 =	simm.s32 $0x1BF5;
	[smem:$0x3FB1] =	sst s0  }
0x18: {  	s0 =	sld [smem:$0x3F94];
	_ =	swait.ge [sflag:s4], $0x0  }
0x19: {  	s7 =	sld [smem:$0x3F95]  }
0x1a: {  	s8 =	sadd.s32 $0xFFFFE003, lr  }
0x1b: {  	s9 =	sadd.s32 $0xFFFFFEF7, lr;
	s5 =	simm.s32 $0xFFFFFFFF;
	p2 =	slt.u32 s8, $0xFFFFF086  }
0x1c: {  	p1 =	slt.u32 s9, $0xF7A;
	s5 =	simm.s32 @!p2 $0x0  }
0x1d: {  	s5 =	simm.s32 @p1 $0x1;
	p0 =	seq.s32 s7, s2  }
0x1e: {  	s7 =	smul.u32 @!p0 $0xF7A, s2;
	p2 =	seq.s32 @!p0 s5, $0x0  }
0x1f: {  	s9 =	smul.u32 $0xF7A, s1;
	s8 =	simm.s32 @!p0 $0x1BF5;
	p2 =	por !p2, p0  }
0x20: {  	[sflag:s8] =	ssyncset.s32 @!p0 $0xFFFFF086;
	s6 =	sadd.s32 @!p0 s3, s7;
	s7 =	simm.s32 @!p0 $0x108  }
0x21: {  	s3 =	sadd.s32 s3, s9;
	s6 =	sadd.s32 @!p0 $0x88, s6;
	s7 =	simm.s32 @p2 $0x1082  }
0x22: {  	[simem:s7], [sflag:s8] =	dma.local @!p0 [hbm:s6], $0xF7A  }
0x23: {  	s9 =	sor.u32 $0xD0000000, s2;
	s6 =	simm.s32 $0x108;
	_ =	swait.ge @!p0 [sflag:s8], $0x0  }
0x24: {  	s3 =	sadd.s32 $0x88, s3;
	s6 =	simm.s32 @!p1 $0x1082;
	[sflag:s4] =	ssyncset.s32 $0xFFFFF086  }
0x25: {  	[simem:s6], [sflag:s4] =	dma.local [hbm:s3], $0xF7A  }
0x26: {  	[smem:$0x3F95] =	sst s1;
	(tag) =	ssettag s2;
	_ =	strace s9  }
0x27: {  	s1 =	sld [smem:$0x3FA5]  }
0x28: {  	s2 =	sld [smem:$0x3FA6]  }
0x29: {  	s4 =	sld [smem:$0x3FA8]  }
0x2a: {  	p0 =	seq.s32 s5, $0x0;
	s5 =	sld [smem:$0x3FA9]  }
0x2b: {  	s6 =	sld [smem:$0x3FAA]  }
0x2c: {  	s7 =	sld [smem:$0x3FAB]  }
0x2d: {  	s3 =	simm.s32 $0x108;
	s8 =	sld [smem:$0x3FAC]  }
0x2e: {  	s3 =	simm.s32 @!p0 $0x1082;
	s9 =	sld [smem:$0x3FAD]  }
0x2f: {  	lr =	sadd.s32 s0, s3;
	s0 =	sld [smem:$0x3FA4]  }
0x30: {  	s3 =	sld [smem:$0x3FA7]  }
0x31: {  	[smem:$0x3FB0] =	sst s10  }
0x32: {  	s10 =	sld [smem:$0x3FAE];
	_ =	sdelay $0x3  }
0x33: {  	p0 =	seq.s32 s10, $0x1;
	s10 =	sld [smem:$0x3FB0];
	_ =	sdelay $0x3  }
0x34: {  	[smem:$0x3FB0] =	sst s10  }
0x35: {  	s10 =	sld [smem:$0x3FAF];
	_ =	sdelay $0x3  }
0x36: {  	p1 =	seq.s32 s10, $0x1;
	s10 =	sld [smem:$0x3FB0];
	_ =	sdelay $0x3  }
0x37: {  	[smem:$0x3FB0] =	sst s10  }
0x38: {  	s10 =	sld [smem:$0x3FB1]  }
0x39: {  	_ = 	snop;
	(pc) =	sbr.ind lr, $3  }
0x3a: {  	_ = 	snop  }
0x3b: {  	_ = 	snop  }
0x3c: {  	p2 =	seq.s32 s10, $0x1;
	s10 =	sld [smem:$0x3FB0]  }
0x3d: {  	_ =	shalt  }
0x3e: {  	_ =	shalt  }
0x3f: {  	_ =	shalt  }
0x40: {  	_ =	shalt  }
0x41: {  	_ =	shalt  }
0x42: {  	_ =	shalt  }
0x43: {  	_ =	shalt  }
0x44: {  	_ =	shalt  }
0x45: {  	_ =	shalt  }
0x46: {  	_ =	shalt  }
0x47: {  	_ =	shalt  }
0x48: {  	_ =	shalt  }
0x49: {  	_ =	shalt  }
0x4a: {  	_ =	shalt  }
0x4b: {  	_ =	shalt  }
0x4c: {  	_ =	shalt  }
0x4d: {  	_ =	shalt  }
0x4e: {  	_ =	shalt  }
0x4f: {  	_ =	shalt  }
0x50: {  	_ =	shalt  }
0x51: {  	_ =	shalt  }
0x52: {  	_ =	shalt  }
0x53: {  	_ =	shalt  }
0x54: {  	_ =	shalt  }
0x55: {  	_ =	shalt  }
0x56: {  	_ =	shalt  }
0x57: {  	_ =	shalt  }
0x58: {  	_ =	shalt  }
0x59: {  	_ =	shalt  }
0x5a: {  	_ =	shalt  }
0x5b: {  	_ =	shalt  }
0x5c: {  	_ =	shalt  }
0x5d: {  	_ =	shalt  }
0x5e: {  	_ =	shalt  }
0x5f: {  	_ =	shalt  }
0x60: {  	_ =	shalt  }
0x61: {  	_ =	shalt  }
0x62: {  	_ =	shalt  }
0x63: {  	_ =	shalt  }
0x64: {  	_ =	shalt  }
0x65: {  	_ =	shalt  }
0x66: {  	_ =	shalt  }
0x67: {  	_ =	shalt  }
0x68: {  	_ =	shalt  }
0x69: {  	_ =	shalt  }
0x6a: {  	_ =	shalt  }
0x6b: {  	_ =	shalt  }
0x6c: {  	_ =	shalt  }
0x6d: {  	_ =	shalt  }
0x6e: {  	_ =	shalt  }
0x6f: {  	_ =	shalt  }
0x70: {  	_ =	shalt  }
0x71: {  	_ =	shalt  }
0x72: {  	_ =	shalt  }
0x73: {  	_ =	shalt  }
0x74: {  	_ =	shalt  }
0x75: {  	_ =	shalt  }
0x76: {  	_ =	shalt  }
0x77: {  	_ =	shalt  }
0x78: {  	_ =	shalt  }
0x79: {  	_ =	shalt  }
0x7a: {  	_ =	shalt  }
0x7b: {  	_ =	shalt  }
0x7c: {  	_ =	shalt  }
0x7d: {  	_ =	shalt  }
0x7e: {  	_ =	shalt  }
0x7f: {  	_ =	shalt  }
0x80: {  	_ =	shalt  }
0x81: {  	_ =	shalt  }
0x82: {  	_ =	shalt  }
0x83: {  	_ =	shalt  }
0x84: {  	_ =	shalt  }
0x85: {  	_ =	shalt  }
0x86: {  	_ =	shalt  }
0x87: {  	_ =	shalt  }
.Lfunc_end0:
.L_simem_size_0:
called_computation.1_lowered:
.L_overlay_start_0:
0x88: {  	s2 =	sld [smem:$0x3FD9]  }
0x89: {  	s3 =	sld [smem:$0x3FFE];
	_ =	sdelay $0x1  }
0x8a: {  	s1 =	srdreg.scid  }
0x8b: {  	s0 =	sand.u32 $0x1, s1  }
0x8c: {  	s17 =	sshll.u32 s0, $0xA;
	s2 =	sadd.s32 s3, s2  }
0x8d: {  	s2 =	sadd.s32 s2, s17  }
0x8e: {  	[smem:$0x3FBC] =	sst s2  }
0x8f: {  	_ = 	snop  }
0x90: {  	s18 =	sld [smem:$0x3FC9]  }
0x91: {  	s4 =	sld [smem:$0x3FC8]  }
0x92: {  	s5 =	sld [smem:$0x3FC7]  }
0x93: {  	s6 =	sld [smem:$0x3FC6];
	(tm) =	ssettm $0x1  }
0x94: {  	s19 =	sld [smem:$0x3FFB];
	_ =	sdelay $0x3  }
0x95: {  	_ =	strace s19  }
0x96: {  	s2 =	sld [smem:$0x3FFC];
	_ =	sdelay $0x3  }
0x97: {  	_ =	strace s2  }
0x98: {  	s2 =	sld [smem:$0x3FFD];
	_ =	sdelay $0x3  }
0x99: {  	_ =	strace s2  }
0x9a: {  	_ =	strace $0x8FFFFFFF  }
0x9b: {  	s20 =	sld [smem:$0x3FDB];
	_ =	sdelay $0x1  }
0x9c: {  	s7 =	simm.s32 $_scs_section_size  }
0x9d: {  	s8 =	simm.s32 $_size__tile_overlayer_lowered;
	s9 =	simm.s32 $_tile_overlayer_lowered  }
0x9e: {  	s10 =	simm.s32 $0x1BFF;
	s21 =	sshll.u32 s9, $0x1;
	s7 =	sadd.s32 s7, s20  }
0x9f: {  	s22 =	simm.s32 $0x0;
	s8 =	sshll.u32 s8, $0x1;
	s9 =	sadd.s32 s21, s7  }
0xa0: {  	[timem:s22], [sflag:s10] =	dma.local [hbm:s9], s8  }
0xa1: {  	_ =	swait.ge [sflag:s10], s8  }
0xa2: {  	s8 =	ssub.s32 $0x0, s8;
	[sflag:s10] =	ssyncset.done $0x0  }
0xa3: {  	[sflag:s10] =	ssyncadd.s32 s8;
	_ =	sdelay $0x1  }
0xa4: {  	s23 =	simm.s32 $0x1B8B  }
0xa5: {  	_ =	swait.ge [sflag:s23], $0x1  }
0xa6: {  	[sflag:s23] =	ssyncset.done $0x0  }
0xa7: {  	[sflag:s23] =	ssyncadd.s32 $0xFFFFFFFF  }
0xa8: {  	s8 =	sld [smem:$0x0]  }
0xa9: {  	s9 =	sand.u32 $0xFFFFFFFE, s1  }
0xaa: {  	p0 =	sne.s32 s1, s9  }
0xab: {  	s9 =	sshll.u32 @p0 s9, $0xE  }
0xac: {  	s9 =	sadd.s32 @p0 $0x11B8D, s9;
	s10 =	sshll.u32 @p0 s8, $0x11  }
0xad: {  	s9 =	sor.u32 @p0 s10, s9  }
0xae: {  	[sflag:s9] =	ssyncadd.remote.s32 @p0 $0x1;
	_ =	sdelay $0x1  }
0xaf: {  	s9 =	simm.s32 @p0 $0x1B8D  }
0xb0: {  	_ =	swait.eq @p0 [sflag:s9], $0x1  }
0xb1: {  	[sflag:s9] =	ssyncadd.s32 @p0 $0xFFFFFFFF  }
0xb2: {  	s10 =	sshll.u32 @!p0 s1, $0xE  }
0xb3: {  	s10 =	sor.u32 @!p0 $0x4000, s10;
	s9 =	simm.s32 @!p0 $0x1B8D  }
0xb4: {  	s8 =	sshll.u32 @!p0 s8, $0x11;
	s10 =	sadd.s32 @!p0 $0x11B8D, s10;
	_ =	swait.eq @!p0 [sflag:s9], $0x1  }
0xb5: {  	s8 =	sor.u32 @!p0 s8, s10;
	[sflag:s9] =	ssyncadd.s32 @!p0 $0xFFFFFFFF  }
0xb6: {  	s25 =	simm.s32 $0x1B8E;
	s24 =	sld [smem:$0x3FFE];
	[sflag:s8] =	ssyncadd.remote.s32 @!p0 $0x1  }
0xb7: {  	s26 =	simm.s32 $execute0_lowered;
	[smem:$0x3FD2] =	sst s25  }
0xb8: {  	s9 =	sshll.u32 s26, $0x1;
	_ =	strace $0x80000049;
	[dreg:$0x1] =	wrdreg $0xFFFFFFFF  }
0xb9: {  	s28 =	simm.s32 $_size_execute0_lowered;
	s7 =	sadd.s32 s7, s9;
	[dreg:$0x0] =	wrdreg $0x0  }
0xba: {  	s9 =	sshll.u32 s28, $0x1;
	[dreg:$0x2] =	wrdreg s7  }
0xbb: {  	[dreg:$0x3] =	wrdreg s9  }
0xbc: {  	[dreg:$0x4] =	wrdreg $0xC0  }
0xbd: {  	_ =	task [dreg:s22], $0x5FFFF  }
0xbe: {  	[dreg:$0x1] =	wrdreg $0xFFFFFFFF  }
0xbf: {  	[dreg:$0x0] =	wrdreg $0x60  }
0xc0: {  	[dreg:$0x2] =	wrdreg s5  }
0xc1: {  	[dreg:$0x3] =	wrdreg s6  }
0xc2: {  	[dreg:$0x4] =	wrdreg s18  }
0xc3: {  	[dreg:$0x5] =	wrdreg s4  }
0xc4: {  	[dreg:$0x6] =	wrdreg s24  }
0xc5: {  	[dreg:$0x7] =	wrdreg $0xA  }
0xc6: {  	_ =	task.clear_ibuf [dreg:s22], $0x8FFFF;
	_ =	strace $0x90000049  }
0xc7: {  	s29 =	simm.s32 $0xA;
	_ =	strace $0x8000004B  }
0xc8: {  	_ =	swait.ge [sflag:s29], $0x1  }
0xc9: {  	[sflag:s29] =	ssyncadd.s32 $0xFFFFFFFF  }
0xca: {  	_ =	strace $0x9000004B  }
0xcb: {  	_ =	sfence  }
0xcc: {  	s30 =	sld [smem:$0x0];
	_ =	sdelay $0x2  }
0xcd: {  	s31 =	sshll.u32 s1, $0xD;
	s1 =	sshrl.u32 s1, $0x2  }
0xce: {  	s4 =	sand.u32 $0x4000, s31;
	s1 =	sadd.s32 s1, s30  }
0xcf: {  	s0 =	sor.u32 s4, s0;
	s1 =	sshll.u32 s1, $0x11  }
0xd0: {  	s0 =	sor.u32 s1, s0  }
0xd1: {  	s0 =	sadd.s32 $0x8F2B, s0  }
0xd2: {  	[sflag:s0] =	ssyncadd.remote.s32 $0x1  }
0xd3: {  	_ =	sfence.sel $0xFFFF  }
0xd4: {  	[dreg:$0x0] =	wrdreg $0xFFFFFFFF;
	(pc) =	sbr.abs _section_cstart, $3  }
0xd5: {  	[dreg:$0x1] =	wrdreg $0xFFFFFFFF  }
0xd6: {  	_ =	task.clear_ibuf [dreg:s22], $0x2FFFF;
	_ =	strace $0x9FFFFFFF  }
0xd7: {  	(tm) =	ssettm $0x7FFFFFFF  }
tec
execute0_lowered:
.L_overlay_start_1:
0x0: {  	(tag) =	ssettag $0x1  }
0x1: {  	s3 =	srdreg.scid;
	s0 =	stileid.u32  }
0x2: {  	s1 =	rddreg [dreg:$0x0];
	s14 =	sand.u32 $0x1, s3;
	s31 =	sshll.u32 s0, $0x1  }
0x3: {  	s2 =	rddreg [dreg:$0x1];
	s12 =	sor.u32 s14, s31  }
0x4: {  	s5 =	rddreg [dreg:$0x2];
	s7 =	smul.u32 $0xE0, s12  }
0x5: {  	s6 =	rddreg [dreg:$0x3]  }
0x6: {  	s13 =	rddreg [dreg:$0x4];
	s4 =	simm.s32 $0x0;
	s7 =	sshrl.u32 s7, $0x3  }
0x7: {  	[smem:$0x7FF] =	sst s4;
	s7 =	sadd.s32 $0x480, s7  }
0x8: {  	s3 =	rddreg [dreg:$0x5];
	_ =	strace $0x8000004A;
	s5 =	sadd.s32 s5, s7  }
0x9: {  	[tilespmem:s4], [sflag:$0x1] =	stream.linear.gather [hbm4b:s5+s4], $0xE0, $0x38;
	[tilespmem:$0xE200] =	vst v63  }
0xa: {  	s8 =	simm.s32 $0x1;
	s6 =	sadd.s32 s6, s7;
	s7 =	simm.s32 $0x100  }
0xb: {  	[tilespmem:s7], [sflag:$0x2] =	stream.linear.gather [hbm4b:s6+s4], $0xE0, $0x38;
	[tilespmem:$0xE200] =	vst v63  }
0xc: {  	_ =	swait.ge [sflag:s8], $0xE0  }
0xd: {  	s9 =	simm.s32 $0xE0;
	[sflag:s8] =	ssyncset.done $0x0  }
0xe: {  	s10 =	simm.s32 $0x200;
	s11 =	simm.s32 $0x2;
	[sflag:s8] =	ssyncadd.s32 $0xFFFFFF20  }
0xf: {  	[tilespmem:s10], [sflag:$0x1] =	stream.indirect.gather [hbm4b:s1+s9], $0x80, s4, s9, $0xb8;
	[tilespmem:$0xE200] =	vst v63  }
0x10: {  	_ =	swait.ge [sflag:s11], $0xE0  }
0x11: {  	[sflag:s11] =	ssyncset.done $0x0  }
0x12: {  	s15 =	smul.u32 $0xE00, s12;
	s12 =	simm.s32 $0x7200;
	[sflag:s11] =	ssyncadd.s32 $0xFFFFFF20  }
0x13: {  	[tilespmem:s12], [sflag:$0x2] =	stream.indirect.gather [hbm4b:s2+s9], $0x80, s7, s9, $0xb8;
	[tilespmem:$0xE200] =	vst v63  }
0x14: {  	_ =	swait.ge [sflag:s8], $0x7000  }
0x15: {  	s16 =	ssub.s32 $0x2, s14;
	s15 =	sadd.s32 s15, s13;
	[sflag:s8] =	ssyncset.done $0x0  }
0x16: {  	s17 =	sshrl.u32 s16, $0x1;
	s13 =	sadd.s32 $0x4A800, s15;
	[sflag:s8] =	ssyncadd.s32 $0xFFFF9000  }
0x17: {  	[hbm4b:s13+s4] =	stream.linear.scatter [tilespmem:s10], [sflag:$0x3], $0x7000, $0x38;
	[tilespmem:$0xE200] =	vst v63  }
0x18: {  	s16 =	ssub.s32 s16, s17;
	_ =	swait.ge [sflag:s11], $0x7000  }
0x19: {  	s17 =	smax.u32 s16, $0x1;
	s14 =	sadd.s32 $0x66800, s15;
	[sflag:s11] =	ssyncset.done $0x0  }
0x1a: {  	s15 =	simm.s32 $0x3;
	p0 =	sne.s32 s17, $0x1;
	[sflag:s11] =	ssyncadd.s32 $0xFFFF9000  }
0x1b: {  	[hbm4b:s14+s4] =	stream.linear.scatter [tilespmem:s12], [sflag:$0x4], $0x7000, $0x38;
	[tilespmem:$0xE200] =	vst v63  }
.Ltmp0:
0x1c: {  	_ =	swait.ge [sflag:s15], $0x7000;
	(pc) =	sbr.rel @!p0 .LBB2_2-.Ltmp0, $4  }
0x1d: {  	[sflag:s15] =	ssyncset.done $0x0  }
0x1e: {  	s16 =	simm.s32 $0x4;
	[sflag:s15] =	ssyncadd.s32 $0xFFFF9000  }
0x1f: {  	_ =	swait.ge [sflag:s16], $0x7000  }
0x20: {  	s17 =	sadd.s32 $0xFFFFFFFF, s17;
	[sflag:s16] =	ssyncset.done $0x0  }
.LBB2_1:
0x21: {  	p0 =	sne.s32 s17, $0x1;
	s17 =	sadd.s32 $0xFFFFFFFF, s17;
	[sflag:s16] =	ssyncadd.s32 $0xFFFF9000  }
0x22: {  	[tilespmem:s4], [sflag:$0x1] =	stream.linear.gather [hbm4b:s5+s4], $0xE0, $0x38;
	[tilespmem:$0xE200] =	vst v63  }
0x23: {  	_ = 	snop  }
0x24: {  	[tilespmem:s7], [sflag:$0x2] =	stream.linear.gather [hbm4b:s6+s4], $0xE0, $0x38;
	[tilespmem:$0xE200] =	vst v63  }
0x25: {  	_ =	swait.ge [sflag:s8], $0xE0  }
0x26: {  	[sflag:s8] =	ssyncset.done $0x0  }
0x27: {  	[sflag:s8] =	ssyncadd.s32 $0xFFFFFF20  }
0x28: {  	[tilespmem:s10], [sflag:$0x1] =	stream.indirect.gather [hbm4b:s1+s9], $0x80, s4, s9, $0xb8;
	[tilespmem:$0xE200] =	vst v63  }
0x29: {  	_ =	swait.ge [sflag:s11], $0xE0  }
0x2a: {  	[sflag:s11] =	ssyncset.done $0x0  }
0x2b: {  	[sflag:s11] =	ssyncadd.s32 $0xFFFFFF20  }
0x2c: {  	[tilespmem:s12], [sflag:$0x2] =	stream.indirect.gather [hbm4b:s2+s9], $0x80, s7, s9, $0xb8;
	[tilespmem:$0xE200] =	vst v63  }
0x2d: {  	_ =	swait.ge [sflag:s8], $0x7000  }
0x2e: {  	[sflag:s8] =	ssyncset.done $0x0  }
0x2f: {  	[sflag:s8] =	ssyncadd.s32 $0xFFFF9000  }
0x30: {  	[hbm4b:s13+s4] =	stream.linear.scatter [tilespmem:s10], [sflag:$0x3], $0x7000, $0x38;
	[tilespmem:$0xE200] =	vst v63  }
0x31: {  	_ =	swait.ge [sflag:s11], $0x7000  }
0x32: {  	[sflag:s11] =	ssyncset.done $0x0  }
0x33: {  	[sflag:s11] =	ssyncadd.s32 $0xFFFF9000  }
0x34: {  	[hbm4b:s14+s4] =	stream.linear.scatter [tilespmem:s12], [sflag:$0x4], $0x7000, $0x38;
	[tilespmem:$0xE200] =	vst v63  }
.Ltmp1:
0x35: {  	_ =	swait.ge [sflag:s15], $0x7000;
	(pc) =	sbr.rel @p0 .LBB2_1-.Ltmp1, $4  }
0x36: {  	[sflag:s15] =	ssyncset.done $0x0  }
0x37: {  	[sflag:s15] =	ssyncadd.s32 $0xFFFF9000  }
0x38: {  	_ =	swait.ge [sflag:s16], $0x7000  }
0x39: {  	[sflag:s16] =	ssyncset.done $0x0  }
.LBB2_2:
0x3a: {  	[sflag:s16] =	ssyncadd.s32 $0xFFFF9000  }
0x3b: {  	_ =	sfence.sel $0x180000  }
0x3c: {  	[bflag:$0x0] =	sbarrier.arrive $0xFFFF  }
0x3d: {  	p0 =	sne.s32 s0, $0x0;
	_ =	strace $0x9000004A  }
0x3e: {  	s0 =	sadd.s32 @!p0 $0x100000, s3;
	[bflag:$0x2] =	sbarrier.arrive $0xFFFF  }
0x3f: {  	[sflag:s0] =	ssyncadd.tile.s32 @!p0 $0x1;
	_ =	shalt  }
.Lfunc_end2:
_tile_overlayer_lowered:
.L_overlay_start_2:
0x40: {  	(tag) =	ssettag $0x2  }
0x41: {  	s0 =	rddreg [dreg:$0x0];
	s2 =	stileid.u32  }
0x42: {  	s1 =	rddreg [dreg:$0x1];
	p0 =	sne.s32 s2, $0x0  }
0x43: {  	s3 =	rddreg [dreg:$0x2];
	[bflag:$0x3] =	sbarrier.arrive $0xFFFF;
	s2 =	simm.s32 @!p0 $0x1C05  }
0x44: {  	[timem:s3], [sflag:s2] =	dma.local @!p0 [hbm:s0], s1  }
0x45: {  	s0 =	simm.s32 @!p0 $0x5  }
0x46: {  	_ =	swait.ge @!p0 [sflag:s0], s1  }
0x47: {  	s1 =	ssub.s32 @!p0 $0x0, s1;
	[sflag:s0] =	ssyncset.done @!p0 $0x0  }
0x48: {  	[sflag:s0] =	ssyncadd.s32 @!p0 s1  }
0x49: {  	[bflag:$0x3] =	sbarrier.arrive $0xFFFF  }
0x4a: {  	_ =	shalt  }

</sc_bundles>
